<compile_context>
chip_gen: v7x
topology: tpu7x:2x2x1
jax: 0.10.2.dev20260603
libtpu: 0.0.44.dev20260713+nightly
codegen_flags: <defaults>
</compile_context>

<pallas_src>
import functools
import math

import numpy as np
import jax
import jax.numpy as jnp
from jax import lax
from jax.experimental import pallas as pl
from jax.experimental.pallas import tpu as pltpu
from jax.experimental.pallas import tpu_sc as plsc

L_SEQ = 50
BATCH = 4096
NE = 460
POS = 26
OUT_D = 512
N_AA = 27
N_MOD = 8
N_KEY = N_AA * N_MOD
N_PAIR = 51 * 51
PAIR_W = 128
ROWS = L_SEQ * BATCH
SQRT_NE = math.sqrt(float(NE))
REP = 16
R_SC = 81920
BLK = 4096
NBLK = (ROWS - R_SC) // BLK


def _make_pe() -> np.ndarray:
    max_len, dims = 128, POS
    position = np.arange(0, max_len, dtype=np.float32)[:, None]
    div_term_enum = np.arange(0, dims, 2, dtype=np.float32)
    div_term_denom = -math.log(10000.0) / dims + 1
    div_term = np.exp(div_term_enum * div_term_denom)
    pe = np.zeros((max_len, dims), dtype=np.float32)
    pe[:, 0::2] = np.sin(position * div_term)
    pe[:, 1::2] = np.cos(position * div_term)
    pe[0, :] = 0.0
    return pe


def _make_pairs() -> np.ndarray:
    pe51 = _make_pe()[:51]
    pairs = np.zeros((51, 51, PAIR_W), dtype=np.float32)
    pairs[:, :, 76:76 + POS] = pe51[:, None, :]
    pairs[:, :, 76 + POS:] = pe51[None, :, :]
    return np.tile(pairs.reshape(N_PAIR, PAIR_W), (REP, 1))


_PAIRS = _make_pairs()


def _make_pp() -> np.ndarray:
    pe51 = _make_pe()[:51]
    pp = np.zeros((102, 52), dtype=np.float32)
    pp[0:51, 0:26] = pe51
    pp[51:102, 26:52] = pe51
    return pp


_PP = _make_pp()


def _prep_body(src_ref, mods_ref, aa_ref, modt_ref, ks_ref, kp_ref, fw_ref, rev_ref, sum_ref):
    srcf = src_ref[...].astype(jnp.float32)
    modsf = mods_ref[...].astype(jnp.float32)
    ks_ref[...] = jnp.transpose(srcf * 8.0 + modsf).astype(jnp.int32)

    mask_t = jnp.transpose(jnp.where(srcf != 0.0, 1.0, 0.0))
    r_io = lax.broadcasted_iota(jnp.int32, (L_SEQ, L_SEQ), 0)
    c_io = lax.broadcasted_iota(jnp.int32, (L_SEQ, L_SEQ), 1)
    lower = jnp.where(r_io >= c_io, 1.0, 0.0)
    fw_t = jnp.dot(lower, mask_t, preferred_element_type=jnp.float32)
    tot_t = fw_t[L_SEQ - 1:L_SEQ, :]
    rev_t = tot_t - fw_t + mask_t
    kp_ref[...] = (fw_t * 51.0 + rev_t).astype(jnp.int32)
    fw_ref[...] = fw_t.astype(jnp.int32)
    rev_ref[...] = rev_t.astype(jnp.int32)

    fused = aa_ref[...][:, None, :] + modt_ref[...][None, :, :]
    fused = fused.reshape(N_KEY, NE) * SQRT_NE
    for rep in range(REP):
        sum_ref[pl.ds(rep * N_KEY, N_KEY), 0:NE] = fused
        sum_ref[pl.ds(rep * N_KEY, N_KEY), NE:OUT_D] = jnp.zeros(
            (N_KEY, OUT_D - NE), jnp.float32)


def _prep(src, mods, aa_table, mod_table):
    return pl.pallas_call(
        _prep_body,
        out_shape=(
            jax.ShapeDtypeStruct((L_SEQ, BATCH), jnp.int32),
            jax.ShapeDtypeStruct((L_SEQ, BATCH), jnp.int32),
            jax.ShapeDtypeStruct((L_SEQ, BATCH), jnp.int32),
            jax.ShapeDtypeStruct((L_SEQ, BATCH), jnp.int32),
            jax.ShapeDtypeStruct((REP * N_KEY, OUT_D), jnp.float32),
        ),
    )(src, mods, aa_table, mod_table)


def _sc_info():
    try:
        info = plsc.get_sparse_core_info()
        return info.num_cores, info.num_subcores
    except Exception:
        return 2, 16


NC, NS = _sc_info()
NW = NC * NS
RPW = R_SC // NW
CHUNK = 40
SLOTS = 4
NCHUNK = RPW // CHUNK
GROUPS = NCHUNK // SLOTS


def _sc_body(sum_hbm, pairs_hbm, ks_hbm, kp_hbm, out_hbm,
             ksa_v, kpa_v, a_vs, p_vs, sa_s, sb_s, sw_s):
    wid = lax.axis_index("s") * NC + lax.axis_index("c")
    base = wid * RPW
    pltpu.sync_copy(ks_hbm.at[pl.ds(base, RPW)], ksa_v)
    pltpu.sync_copy(kp_hbm.at[pl.ds(base, RPW)], kpa_v)
    ks_off = (lax.rem(wid, REP) * N_KEY).astype(jnp.int32)
    kp_off = (lax.rem(wid, REP) * N_PAIR).astype(jnp.int32)

    def shift_keys(t, carry):
        ksa_v[pl.ds(t * 16, 16)] = ksa_v[pl.ds(t * 16, 16)] + ks_off
        kpa_v[pl.ds(t * 16, 16)] = kpa_v[pl.ds(t * 16, 16)] + kp_off
        return carry

    lax.fori_loop(0, RPW // 16, shift_keys, 0)

    def group(i, carry):
        g0 = i * SLOTS
        gathers = []
        for s in range(SLOTS):
            off = (g0 + s) * CHUNK
            ca = pltpu.async_copy(
                sum_hbm.at[ksa_v.at[pl.ds(off, CHUNK)]], a_vs[s], sa_s[s])
            cb = pltpu.async_copy(
                pairs_hbm.at[kpa_v.at[pl.ds(off, CHUNK)]], p_vs[s], sb_s[s])
            gathers.append((ca, cb))
        writes = []
        for s in range(SLOTS):
            ca, cb = gathers[s]
            ca.wait()
            cb.wait()
            a_v, p_v = a_vs[s], p_vs[s]

            def addrow(r, c2, a_v=a_v, p_v=p_v):
                a_v[r, pl.ds(448, 16)] = (
                    a_v[r, pl.ds(448, 16)] + p_v[r, pl.ds(64, 16)])
                for j in (1, 2, 3):
                    a_v[r, pl.ds(448 + 16 * j, 16)] = p_v[r, pl.ds(64 + 16 * j, 16)]
                return c2

            lax.fori_loop(0, CHUNK, addrow, 0)
            writes.append(pltpu.async_copy(
                a_v, out_hbm.at[pl.ds(base + (g0 + s) * CHUNK, CHUNK)], sw_s[s]))
        for w in writes:
            w.wait()
        return carry

    lax.fori_loop(0, GROUPS, group, 0)


@functools.partial(jax.jit, static_argnums=())
def _run_sc(sum512, pairs, ks, kp):
    mesh = plsc.VectorSubcoreMesh(core_axis_name="c", subcore_axis_name="s",
                                  num_cores=NC, num_subcores=NS)

    def body(sum_hbm, pairs_hbm, ks_hbm, kp_hbm, out_hbm, *scratch):
        ksa_v, kpa_v = scratch[0], scratch[1]
        a_vs = scratch[2:2 + SLOTS]
        p_vs = scratch[2 + SLOTS:2 + 2 * SLOTS]
        sa_s = scratch[2 + 2 * SLOTS:2 + 3 * SLOTS]
        sb_s = scratch[2 + 3 * SLOTS:2 + 4 * SLOTS]
        sw_s = scratch[2 + 4 * SLOTS:2 + 5 * SLOTS]
        _sc_body(sum_hbm, pairs_hbm, ks_hbm, kp_hbm, out_hbm,
                 ksa_v, kpa_v, a_vs, p_vs, sa_s, sb_s, sw_s)

    f = pl.kernel(
        body,
        out_type=jax.ShapeDtypeStruct((ROWS, OUT_D), jnp.float32),
        mesh=mesh,
        scratch_types=(
            [pltpu.VMEM((RPW,), jnp.int32), pltpu.VMEM((RPW,), jnp.int32)]
            + [pltpu.VMEM((CHUNK, OUT_D), jnp.float32) for _ in range(SLOTS)]
            + [pltpu.VMEM((CHUNK, PAIR_W), jnp.float32) for _ in range(SLOTS)]
            + [pltpu.SemaphoreType.DMA for _ in range(3 * SLOTS)]
        ),
    )
    return f(sum512, pairs, ks, kp)


def _tcfill_body(outal_ref, ks_ref, fw_ref, rev_ref, sum_ref, pp_ref, out_ref):
    del outal_ref
    ks2 = ks_ref[0]
    io_k = lax.broadcasted_iota(jnp.int32, (N_KEY, BLK), 0)
    oh_t = jnp.where(io_k == ks2, 1.0, 0.0)
    emb = lax.dot_general(oh_t, sum_ref[...],
                          (((0,), (0,)), ((), ())),
                          preferred_element_type=jnp.float32)
    fw2 = fw_ref[0]
    rev2 = rev_ref[0]
    io_p = lax.broadcasted_iota(jnp.int32, (102, BLK), 0)
    ohp_t = jnp.where((io_p == fw2) | (io_p == rev2 + 51), 1.0, 0.0)
    pp = lax.dot_general(ohp_t, pp_ref[...],
                         (((0,), (0,)), ((), ())),
                         preferred_element_type=jnp.float32)
    out_ref[:, 0:460] = emb[:, 0:460]
    out_ref[:, 460:OUT_D] = pp


def _tcfill(out_sc, ks3, fw3, rev3, sum512, pp):
    blk0 = R_SC // BLK
    return pl.pallas_call(
        _tcfill_body,
        grid=(NBLK,),
        in_specs=[
            pl.BlockSpec(memory_space=pl.ANY),
            pl.BlockSpec((1, 1, BLK), lambda i: (i + blk0, 0, 0)),
            pl.BlockSpec((1, 1, BLK), lambda i: (i + blk0, 0, 0)),
            pl.BlockSpec((1, 1, BLK), lambda i: (i + blk0, 0, 0)),
            pl.BlockSpec((N_KEY, OUT_D), lambda i: (0, 0)),
            pl.BlockSpec((102, 52), lambda i: (0, 0)),
        ],
        out_specs=pl.BlockSpec((BLK, OUT_D), lambda i: (i + blk0, 0)),
        out_shape=jax.ShapeDtypeStruct((ROWS, OUT_D), jnp.float32),
        input_output_aliases={0: 0},
    )(out_sc, ks3, fw3, rev3, sum512, pp)


def kernel(src, mods, aa_table, mod_table):
    src = src.astype(jnp.int32)
    mods = mods.astype(jnp.int32)
    ks, kp, fw, rev, sum512 = _prep(src, mods, aa_table, mod_table)
    pairs = jnp.asarray(_PAIRS)
    out_sc = _run_sc(sum512, pairs, ks.reshape(ROWS), kp.reshape(ROWS))
    nb = ROWS // BLK
    out = _tcfill(out_sc,
                  ks.reshape(nb, 1, BLK), fw.reshape(nb, 1, BLK),
                  rev.reshape(nb, 1, BLK), sum512, jnp.asarray(_PP))
    return out.reshape(L_SEQ, BATCH, OUT_D)

# --- scband reference (transcript-rebuilt; emitter-appended) ---
"""Pipeline reference for scband-aasequence-embedding-13881334301327 (READ-ONLY COPY).

The authoritative reference and input builder live on the scoring server;
editing this copy changes nothing except your own understanding.
"""

import math
import jax, jax.numpy as jnp
import numpy as np

AAS_NUM = 26
N_MODS = 7
NINP = 512
POSITION_RATIO = 0.1
MAX_TENSOR_SEQUENCE = 32
POS_DIMS = 26  # int(512/2*0.1)=25 -> odd -> 26
NINP_EMBED = NINP - 2 * POS_DIMS  # 460
MAX_LEN = MAX_TENSOR_SEQUENCE * 4  # 128


def make_pe(dims_add, max_len):
    position = np.arange(0, max_len, dtype=np.float32)[:, None]
    div_term_enum = np.arange(0, dims_add, 2, dtype=np.float32)
    div_term_denom = -math.log(10000.0) / dims_add + 1
    div_term = np.exp(div_term_enum * div_term_denom)
    pe = np.zeros((max_len, dims_add), dtype=np.float32)
    pe[:, 0::2] = np.sin(position * div_term)
    pe[:, 1::2] = np.cos(position * div_term)
    pe[0, :] = 0.0
    return jnp.asarray(pe)


def setup_inputs(seed: int = 0) -> dict:
    key = jax.random.key(seed)
    k1, k2, k3, k4 = jax.random.split(key, 4)
    src = jax.random.randint(k1, (4096, 50), 0, 27, dtype=jnp.int64)
    mods = jax.random.randint(k2, (4096, 50), 0, 8, dtype=jnp.int64)
    initrange = 0.1
    aa_table = jax.random.uniform(k3, (AAS_NUM + 1, NINP_EMBED), minval=-initrange, maxval=initrange, dtype=jnp.float32)
    aa_table = aa_table.at[0].set(0.0)  # padding_idx=0
    mod_table = jax.random.uniform(k4, (N_MODS + 1, NINP_EMBED), minval=-initrange * 0.01, maxval=initrange * 0.01, dtype=jnp.float32)
    mod_table = mod_table.at[0].set(0.0)  # padding_idx=0
    return {"src": src, "mods": mods, "aa_table": aa_table, "mod_table": mod_table}


def reference(src, mods, aa_table, mod_table):
    pe = make_pe(POS_DIMS, MAX_LEN)

    def pos_embed(x, inverted):
        vals = (x != 0).astype(jnp.int32)
        if inverted:
            vals = vals[:, ::-1]
        out = jnp.take(pe, jnp.cumsum(vals, axis=1), axis=0)  # [B, L, POS_DIMS]
        if inverted:
            out = out[:, ::-1]
        return jnp.transpose(out, (1, 0, 2))  # [L, B, POS_DIMS]

    fw_pos_emb = pos_embed(src, False)
    rev_pos_emb = pos_embed(src, True)
    s = jnp.take(aa_table, src.T, axis=0)    # [L, B, NINP_EMBED]
    m = jnp.take(mod_table, mods.T, axis=0)  # [L, B, NINP_EMBED]
    s = (s + m) * math.sqrt(NINP_EMBED)
    return jnp.concatenate([s, fw_pos_emb, rev_pos_emb], axis=-1)

if __name__ == "__main__":
    import jax
    _d = setup_inputs()
    print(jax.jit(kernel)(*tuple(_d.values())))

</pallas_src>

<mosaic_0001>
#map = affine_map<(d0, d1) -> (0, 0)>
#map1 = affine_map<(d0, d1) -> (0)>
module attributes {stable_mosaic.version = 14 : i64} {
  func.func @body(%arg0: i32, %arg1: i32, %arg2: memref<3456x512xf32, #tpu.memory_space<hbm>>, %arg3: memref<41616x128xf32, #tpu.memory_space<hbm>>, %arg4: memref<204800xi32, #tpu.memory_space<hbm>>, %arg5: memref<204800xi32, #tpu.memory_space<hbm>>, %arg6: memref<204800x512xf32, #tpu.memory_space<hbm>>, %arg7: memref<2560xi32, #tpu.memory_space<vmem>>, %arg8: memref<2560xi32, #tpu.memory_space<vmem>>, %arg9: memref<40x512xf32, #tpu.memory_space<vmem>>, %arg10: memref<40x512xf32, #tpu.memory_space<vmem>>, %arg11: memref<40x512xf32, #tpu.memory_space<vmem>>, %arg12: memref<40x512xf32, #tpu.memory_space<vmem>>, %arg13: memref<40x128xf32, #tpu.memory_space<vmem>>, %arg14: memref<40x128xf32, #tpu.memory_space<vmem>>, %arg15: memref<40x128xf32, #tpu.memory_space<vmem>>, %arg16: memref<40x128xf32, #tpu.memory_space<vmem>>, %arg17: memref<!tpu.dma_semaphore, #tpu.memory_space<semaphore_mem>>, %arg18: memref<!tpu.dma_semaphore, #tpu.memory_space<semaphore_mem>>, %arg19: memref<!tpu.dma_semaphore, #tpu.memory_space<semaphore_mem>>, %arg20: memref<!tpu.dma_semaphore, #tpu.memory_space<semaphore_mem>>, %arg21: memref<!tpu.dma_semaphore, #tpu.memory_space<semaphore_mem>>, %arg22: memref<!tpu.dma_semaphore, #tpu.memory_space<semaphore_mem>>, %arg23: memref<!tpu.dma_semaphore, #tpu.memory_space<semaphore_mem>>, %arg24: memref<!tpu.dma_semaphore, #tpu.memory_space<semaphore_mem>>, %arg25: memref<!tpu.dma_semaphore, #tpu.memory_space<semaphore_mem>>, %arg26: memref<!tpu.dma_semaphore, #tpu.memory_space<semaphore_mem>>, %arg27: memref<!tpu.dma_semaphore, #tpu.memory_space<semaphore_mem>>, %arg28: memref<!tpu.dma_semaphore, #tpu.memory_space<semaphore_mem>>) attributes {dimension_semantics = [#tpu.dimension_semantics<core_parallel>, #tpu.dimension_semantics<subcore_parallel>], iteration_bounds = array<i64: 2, 16>, scalar_prefetch = 0 : i64, scratch_operands = 22 : i64, tpu.core_type = #tpu.core_type<sc_vector_subcore>, window_params = [{transform_indices = #map}, {transform_indices = #map}, {transform_indices = #map1}, {transform_indices = #map1}, {transform_indices = #map}]} {
    %mul3A = arith.constant 2 : i32
    %mul3A_0 = arith.muli %arg1, %mul3A : i32
    %add3A = arith.addi %mul3A_0, %arg0 : i32
    %mul3A_1 = arith.constant 2560 : i32
    %mul3A_2 = arith.muli %add3A, %mul3A_1 : i32
    "tpu.region"() ({
      %run_scoped3A = tpu.sem_alloc : memref<!tpu.dma_semaphore, #tpu.memory_space<semaphore_mem>>
      %dma_start3A = tpu.memref_slice %arg4[%mul3A_2] : memref<204800xi32, #tpu.memory_space<hbm>> -> memref<2560xi32, #tpu.memory_space<hbm>>
      %dma_start3A_21 = tpu.memref_slice %arg4[%mul3A_2] : memref<204800xi32, #tpu.memory_space<hbm>> -> memref<2560xi32, #tpu.memory_space<hbm>>
      tpu.enqueue_dma source(%dma_start3A_21 : memref<2560xi32, #tpu.memory_space<hbm>>) target(%arg7 : memref<2560xi32, #tpu.memory_space<vmem>>) target_semaphore(%run_scoped3A : memref<!tpu.dma_semaphore, #tpu.memory_space<semaphore_mem>>)
      %dma_wait3A = tpu.memref_slice %arg4[%mul3A_2] : memref<204800xi32, #tpu.memory_space<hbm>> -> memref<2560xi32, #tpu.memory_space<hbm>>
      %dma_wait3A_22 = tpu.memref_slice %arg4[%mul3A_2] : memref<204800xi32, #tpu.memory_space<hbm>> -> memref<2560xi32, #tpu.memory_space<hbm>>
      tpu.wait_dma2 semaphore(%run_scoped3A : memref<!tpu.dma_semaphore, #tpu.memory_space<semaphore_mem>>) src(%dma_wait3A_22 : memref<2560xi32, #tpu.memory_space<hbm>>) dst(%arg7 : memref<2560xi32, #tpu.memory_space<vmem>>)
      tpu.yield
    }) : () -> ()
    "tpu.region"() ({
      %run_scoped3A = tpu.sem_alloc : memref<!tpu.dma_semaphore, #tpu.memory_space<semaphore_mem>>
      %dma_start3A = tpu.memref_slice %arg5[%mul3A_2] : memref<204800xi32, #tpu.memory_space<hbm>> -> memref<2560xi32, #tpu.memory_space<hbm>>
      %dma_start3A_21 = tpu.memref_slice %arg5[%mul3A_2] : memref<204800xi32, #tpu.memory_space<hbm>> -> memref<2560xi32, #tpu.memory_space<hbm>>
      tpu.enqueue_dma source(%dma_start3A_21 : memref<2560xi32, #tpu.memory_space<hbm>>) target(%arg8 : memref<2560xi32, #tpu.memory_space<vmem>>) target_semaphore(%run_scoped3A : memref<!tpu.dma_semaphore, #tpu.memory_space<semaphore_mem>>)
      %dma_wait3A = tpu.memref_slice %arg5[%mul3A_2] : memref<204800xi32, #tpu.memory_space<hbm>> -> memref<2560xi32, #tpu.memory_space<hbm>>
      %dma_wait3A_22 = tpu.memref_slice %arg5[%mul3A_2] : memref<204800xi32, #tpu.memory_space<hbm>> -> memref<2560xi32, #tpu.memory_space<hbm>>
      tpu.wait_dma2 semaphore(%run_scoped3A : memref<!tpu.dma_semaphore, #tpu.memory_space<semaphore_mem>>) src(%dma_wait3A_22 : memref<2560xi32, #tpu.memory_space<hbm>>) dst(%arg8 : memref<2560xi32, #tpu.memory_space<vmem>>)
      tpu.yield
    }) : () -> ()
    %rem3A = arith.constant 16 : i32
    %rem3A_3 = arith.remsi %add3A, %rem3A : i32
    %mul3A_4 = arith.constant 216 : i32
    %mul3A_5 = arith.muli %rem3A_3, %mul3A_4 : i32
    %rem3A_6 = arith.constant 16 : i32
    %rem3A_7 = arith.remsi %add3A, %rem3A_6 : i32
    %mul3A_8 = arith.constant 2601 : i32
    %mul3A_9 = arith.muli %rem3A_7, %mul3A_8 : i32
    %scan3A = arith.constant 0 : i32
    %scan3A_10 = arith.constant 0 : i32
    %scan3A_11 = arith.constant 160 : i32
    %scan3A_12 = arith.addi %scan3A_10, %scan3A_11 : i32
    %scan3A_13 = arith.constant 1 : i32
    scf.for %scan3A_21 = %scan3A_10 to %scan3A_12 step %scan3A_13  : i32 {
      %mul3A_22 = arith.constant 16 : i32
      %mul3A_23 = arith.muli %scan3A_21, %mul3A_22 : i32
      %get3A = arith.index_cast %mul3A_23 : i32 to index
      %get3A_24 = tpu.vector_load %arg7[%get3A] {strides = array<i32>} : memref<2560xi32, #tpu.memory_space<vmem>>, vector<16xi32>,
      %get3A_25 = vector.shape_cast %get3A_24 : vector<16xi32> to vector<16xi32>
      %add3A_26 = vector.broadcast %mul3A_5 : i32 to vector<16xi32>
      %add3A_27 = arith.addi %get3A_25, %add3A_26 : vector<16xi32>
      %mul3A_28 = arith.constant 16 : i32
      %mul3A_29 = arith.muli %scan3A_21, %mul3A_28 : i32
      %swap3A = arith.index_cast %mul3A_29 : i32 to index
      %swap3A_30 = tpu.vector_load %arg7[%swap3A] {strides = array<i32>} : memref<2560xi32, #tpu.memory_space<vmem>>, vector<16xi32>,
      %swap3A_31 = vector.shape_cast %swap3A_30 : vector<16xi32> to vector<16xi32>
      %swap3A_32 = vector.shape_cast %add3A_27 : vector<16xi32> to vector<16xi32>
      tpu.vector_store %arg7[%swap3A], %swap3A_32 {strides = array<i32>} : memref<2560xi32, #tpu.memory_space<vmem>>, vector<16xi32>,
      %mul3A_33 = arith.constant 16 : i32
      %mul3A_34 = arith.muli %scan3A_21, %mul3A_33 : i32
      %get3A_35 = arith.index_cast %mul3A_34 : i32 to index
      %get3A_36 = tpu.vector_load %arg8[%get3A_35] {strides = array<i32>} : memref<2560xi32, #tpu.memory_space<vmem>>, vector<16xi32>,
      %get3A_37 = vector.shape_cast %get3A_36 : vector<16xi32> to vector<16xi32>
      %add3A_38 = vector.broadcast %mul3A_9 : i32 to vector<16xi32>
      %add3A_39 = arith.addi %get3A_37, %add3A_38 : vector<16xi32>
      %mul3A_40 = arith.constant 16 : i32
      %mul3A_41 = arith.muli %scan3A_21, %mul3A_40 : i32
      %swap3A_42 = arith.index_cast %mul3A_41 : i32 to index
      %swap3A_43 = tpu.vector_load %arg8[%swap3A_42] {strides = array<i32>} : memref<2560xi32, #tpu.memory_space<vmem>>, vector<16xi32>,
      %swap3A_44 = vector.shape_cast %swap3A_43 : vector<16xi32> to vector<16xi32>
      %swap3A_45 = vector.shape_cast %add3A_39 : vector<16xi32> to vector<16xi32>
      tpu.vector_store %arg8[%swap3A_42], %swap3A_45 {strides = array<i32>} : memref<2560xi32, #tpu.memory_space<vmem>>, vector<16xi32>,
    }
    %scan3A_14 = arith.constant 160 : i32
    %scan3A_15 = arith.constant 0 : i32
    %scan3A_16 = arith.constant 0 : i32
    %scan3A_17 = arith.constant 16 : i32
    %scan3A_18 = arith.addi %scan3A_16, %scan3A_17 : i32
    %scan3A_19 = arith.constant 1 : i32
    scf.for %scan3A_21 = %scan3A_16 to %scan3A_18 step %scan3A_19  : i32 {
      %mul3A_22 = arith.constant 4 : i32
      %mul3A_23 = arith.muli %scan3A_21, %mul3A_22 : i32
      %add3A_24 = arith.constant 0 : i32
      %add3A_25 = arith.addi %mul3A_23, %add3A_24 : i32
      %mul3A_26 = arith.constant 40 : i32
      %mul3A_27 = arith.muli %add3A_25, %mul3A_26 : i32
      %dma_start3A = tpu.memref_slice %arg7[%mul3A_27] : memref<2560xi32, #tpu.memory_space<vmem>> -> memref<40xi32, #tpu.memory_space<vmem>>
      %dma_start3A_28 = arith.constant 0 : i32
      %dma_start3A_29 = arith.constant 0 : i32
      %dma_start3A_30 = tpu.memref_slice %arg2[%dma_start3A_28, %dma_start3A_29] : memref<3456x512xf32, #tpu.memory_space<hbm>> -> memref<3456x512xf32, #tpu.memory_space<hbm>>
      tpu.enqueue_indirect_dma source(%dma_start3A_30 : memref<3456x512xf32, #tpu.memory_space<hbm>>) target(%arg9 : memref<40x512xf32, #tpu.memory_space<vmem>>) offsets(%dma_start3A : memref<40xi32, #tpu.memory_space<vmem>>) semaphore(%arg17 : memref<!tpu.dma_semaphore, #tpu.memory_space<semaphore_mem>>)
      %dma_start3A_31 = tpu.memref_slice %arg8[%mul3A_27] : memref<2560xi32, #tpu.memory_space<vmem>> -> memref<40xi32, #tpu.memory_space<vmem>>
      %dma_start3A_32 = arith.constant 0 : i32
      %dma_start3A_33 = arith.constant 0 : i32
      %dma_start3A_34 = tpu.memref_slice %arg3[%dma_start3A_32, %dma_start3A_33] : memref<41616x128xf32, #tpu.memory_space<hbm>> -> memref<41616x128xf32, #tpu.memory_space<hbm>>
      tpu.enqueue_indirect_dma source(%dma_start3A_34 : memref<41616x128xf32, #tpu.memory_space<hbm>>) target(%arg13 : memref<40x128xf32, #tpu.memory_space<vmem>>) offsets(%dma_start3A_31 : memref<40xi32, #tpu.memory_space<vmem>>) semaphore(%arg21 : memref<!tpu.dma_semaphore, #tpu.memory_space<semaphore_mem>>)
      %add3A_35 = arith.constant 1 : i32
      %add3A_36 = arith.addi %mul3A_23, %add3A_35 : i32
      %mul3A_37 = arith.constant 40 : i32
      %mul3A_38 = arith.muli %add3A_36, %mul3A_37 : i32
      %dma_start3A_39 = tpu.memref_slice %arg7[%mul3A_38] : memref<2560xi32, #tpu.memory_space<vmem>> -> memref<40xi32, #tpu.memory_space<vmem>>
      %dma_start3A_40 = arith.constant 0 : i32
      %dma_start3A_41 = arith.constant 0 : i32
      %dma_start3A_42 = tpu.memref_slice %arg2[%dma_start3A_40, %dma_start3A_41] : memref<3456x512xf32, #tpu.memory_space<hbm>> -> memref<3456x512xf32, #tpu.memory_space<hbm>>
      tpu.enqueue_indirect_dma source(%dma_start3A_42 : memref<3456x512xf32, #tpu.memory_space<hbm>>) target(%arg10 : memref<40x512xf32, #tpu.memory_space<vmem>>) offsets(%dma_start3A_39 : memref<40xi32, #tpu.memory_space<vmem>>) semaphore(%arg18 : memref<!tpu.dma_semaphore, #tpu.memory_space<semaphore_mem>>)
      %dma_start3A_43 = tpu.memref_slice %arg8[%mul3A_38] : memref<2560xi32, #tpu.memory_space<vmem>> -> memref<40xi32, #tpu.memory_space<vmem>>
      %dma_start3A_44 = arith.constant 0 : i32
      %dma_start3A_45 = arith.constant 0 : i32
      %dma_start3A_46 = tpu.memref_slice %arg3[%dma_start3A_44, %dma_start3A_45] : memref<41616x128xf32, #tpu.memory_space<hbm>> -> memref<41616x128xf32, #tpu.memory_space<hbm>>
      tpu.enqueue_indirect_dma source(%dma_start3A_46 : memref<41616x128xf32, #tpu.memory_space<hbm>>) target(%arg14 : memref<40x128xf32, #tpu.memory_space<vmem>>) offsets(%dma_start3A_43 : memref<40xi32, #tpu.memory_space<vmem>>) semaphore(%arg22 : memref<!tpu.dma_semaphore, #tpu.memory_space<semaphore_mem>>)
      %add3A_47 = arith.constant 2 : i32
      %add3A_48 = arith.addi %mul3A_23, %add3A_47 : i32
      %mul3A_49 = arith.constant 40 : i32
      %mul3A_50 = arith.muli %add3A_48, %mul3A_49 : i32
      %dma_start3A_51 = tpu.memref_slice %arg7[%mul3A_50] : memref<2560xi32, #tpu.memory_space<vmem>> -> memref<40xi32, #tpu.memory_space<vmem>>
      %dma_start3A_52 = arith.constant 0 : i32
      %dma_start3A_53 = arith.constant 0 : i32
      %dma_start3A_54 = tpu.memref_slice %arg2[%dma_start3A_52, %dma_start3A_53] : memref<3456x512xf32, #tpu.memory_space<hbm>> -> memref<3456x512xf32, #tpu.memory_space<hbm>>
      tpu.enqueue_indirect_dma source(%dma_start3A_54 : memref<3456x512xf32, #tpu.memory_space<hbm>>) target(%arg11 : memref<40x512xf32, #tpu.memory_space<vmem>>) offsets(%dma_start3A_51 : memref<40xi32, #tpu.memory_space<vmem>>) semaphore(%arg19 : memref<!tpu.dma_semaphore, #tpu.memory_space<semaphore_mem>>)
      %dma_start3A_55 = tpu.memref_slice %arg8[%mul3A_50] : memref<2560xi32, #tpu.memory_space<vmem>> -> memref<40xi32, #tpu.memory_space<vmem>>
      %dma_start3A_56 = arith.constant 0 : i32
      %dma_start3A_57 = arith.constant 0 : i32
      %dma_start3A_58 = tpu.memref_slice %arg3[%dma_start3A_56, %dma_start3A_57] : memref<41616x128xf32, #tpu.memory_space<hbm>> -> memref<41616x128xf32, #tpu.memory_space<hbm>>
      tpu.enqueue_indirect_dma source(%dma_start3A_58 : memref<41616x128xf32, #tpu.memory_space<hbm>>) target(%arg15 : memref<40x128xf32, #tpu.memory_space<vmem>>) offsets(%dma_start3A_55 : memref<40xi32, #tpu.memory_space<vmem>>) semaphore(%arg23 : memref<!tpu.dma_semaphore, #tpu.memory_space<semaphore_mem>>)
      %add3A_59 = arith.constant 3 : i32
      %add3A_60 = arith.addi %mul3A_23, %add3A_59 : i32
      %mul3A_61 = arith.constant 40 : i32
      %mul3A_62 = arith.muli %add3A_60, %mul3A_61 : i32
      %dma_start3A_63 = tpu.memref_slice %arg7[%mul3A_62] : memref<2560xi32, #tpu.memory_space<vmem>> -> memref<40xi32, #tpu.memory_space<vmem>>
      %dma_start3A_64 = arith.constant 0 : i32
      %dma_start3A_65 = arith.constant 0 : i32
      %dma_start3A_66 = tpu.memref_slice %arg2[%dma_start3A_64, %dma_start3A_65] : memref<3456x512xf32, #tpu.memory_space<hbm>> -> memref<3456x512xf32, #tpu.memory_space<hbm>>
      tpu.enqueue_indirect_dma source(%dma_start3A_66 : memref<3456x512xf32, #tpu.memory_space<hbm>>) target(%arg12 : memref<40x512xf32, #tpu.memory_space<vmem>>) offsets(%dma_start3A_63 : memref<40xi32, #tpu.memory_space<vmem>>) semaphore(%arg20 : memref<!tpu.dma_semaphore, #tpu.memory_space<semaphore_mem>>)
      %dma_start3A_67 = tpu.memref_slice %arg8[%mul3A_62] : memref<2560xi32, #tpu.memory_space<vmem>> -> memref<40xi32, #tpu.memory_space<vmem>>
      %dma_start3A_68 = arith.constant 0 : i32
      %dma_start3A_69 = arith.constant 0 : i32
      %dma_start3A_70 = tpu.memref_slice %arg3[%dma_start3A_68, %dma_start3A_69] : memref<41616x128xf32, #tpu.memory_space<hbm>> -> memref<41616x128xf32, #tpu.memory_space<hbm>>
      tpu.enqueue_indirect_dma source(%dma_start3A_70 : memref<41616x128xf32, #tpu.memory_space<hbm>>) target(%arg16 : memref<40x128xf32, #tpu.memory_space<vmem>>) offsets(%dma_start3A_67 : memref<40xi32, #tpu.memory_space<vmem>>) semaphore(%arg24 : memref<!tpu.dma_semaphore, #tpu.memory_space<semaphore_mem>>)
      %dma_wait3A = tpu.memref_slice %arg7[%mul3A_27] : memref<2560xi32, #tpu.memory_space<vmem>> -> memref<40xi32, #tpu.memory_space<vmem>>
      %dma_wait3A_71 = arith.constant 0 : i32
      %dma_wait3A_72 = arith.constant 0 : i32
      %dma_wait3A_73 = tpu.memref_slice %arg2[%dma_wait3A_71, %dma_wait3A_72] : memref<3456x512xf32, #tpu.memory_space<hbm>> -> memref<3456x512xf32, #tpu.memory_space<hbm>>
      tpu.wait_indirect_dma semaphore(%arg17 : memref<!tpu.dma_semaphore, #tpu.memory_space<semaphore_mem>>) src(%dma_wait3A_73 : memref<3456x512xf32, #tpu.memory_space<hbm>>) dst(%arg9 : memref<40x512xf32, #tpu.memory_space<vmem>>)
      %dma_wait3A_74 = tpu.memref_slice %arg8[%mul3A_27] : memref<2560xi32, #tpu.memory_space<vmem>> -> memref<40xi32, #tpu.memory_space<vmem>>
      %dma_wait3A_75 = arith.constant 0 : i32
      %dma_wait3A_76 = arith.constant 0 : i32
      %dma_wait3A_77 = tpu.memref_slice %arg3[%dma_wait3A_75, %dma_wait3A_76] : memref<41616x128xf32, #tpu.memory_space<hbm>> -> memref<41616x128xf32, #tpu.memory_space<hbm>>
      tpu.wait_indirect_dma semaphore(%arg21 : memref<!tpu.dma_semaphore, #tpu.memory_space<semaphore_mem>>) src(%dma_wait3A_77 : memref<41616x128xf32, #tpu.memory_space<hbm>>) dst(%arg13 : memref<40x128xf32, #tpu.memory_space<vmem>>)
      %scan3A_78 = arith.constant 0 : i32
      %scan3A_79 = arith.constant 0 : i32
      %scan3A_80 = arith.constant 40 : i32
      %scan3A_81 = arith.addi %scan3A_79, %scan3A_80 : i32
      %scan3A_82 = arith.constant 1 : i32
      scf.for %scan3A_178 = %scan3A_79 to %scan3A_81 step %scan3A_82  : i32 {
        %get3A = arith.index_cast %scan3A_178 : i32 to index
        %get3A_179 = arith.constant 448 : index
        %get3A_180 = tpu.vector_load %arg9[%get3A, %get3A_179] {strides = array<i32>} : memref<40x512xf32, #tpu.memory_space<vmem>>, vector<1x16xf32>,
        %get3A_181 = vector.shape_cast %get3A_180 : vector<1x16xf32> to vector<16xf32>
        %get3A_182 = arith.index_cast %scan3A_178 : i32 to index
        %get3A_183 = arith.constant 64 : index
        %get3A_184 = tpu.vector_load %arg13[%get3A_182, %get3A_183] {strides = array<i32>} : memref<40x128xf32, #tpu.memory_space<vmem>>, vector<1x16xf32>,
        %get3A_185 = vector.shape_cast %get3A_184 : vector<1x16xf32> to vector<16xf32>
        %add3A_186 = arith.addf %get3A_181, %get3A_185 : vector<16xf32>
        %swap3A = arith.index_cast %scan3A_178 : i32 to index
        %swap3A_187 = arith.constant 448 : index
        %swap3A_188 = tpu.vector_load %arg9[%swap3A, %swap3A_187] {strides = array<i32>} : memref<40x512xf32, #tpu.memory_space<vmem>>, vector<1x16xf32>,
        %swap3A_189 = vector.shape_cast %swap3A_188 : vector<1x16xf32> to vector<16xf32>
        %swap3A_190 = vector.shape_cast %add3A_186 : vector<16xf32> to vector<1x16xf32>
        tpu.vector_store %arg9[%swap3A, %swap3A_187], %swap3A_190 {strides = array<i32>} : memref<40x512xf32, #tpu.memory_space<vmem>>, vector<1x16xf32>,
        %get3A_191 = arith.index_cast %scan3A_178 : i32 to index
        %get3A_192 = arith.constant 80 : index
        %get3A_193 = tpu.vector_load %arg13[%get3A_191, %get3A_192] {strides = array<i32>} : memref<40x128xf32, #tpu.memory_space<vmem>>, vector<1x16xf32>,
        %get3A_194 = vector.shape_cast %get3A_193 : vector<1x16xf32> to vector<16xf32>
        %swap3A_195 = arith.index_cast %scan3A_178 : i32 to index
        %swap3A_196 = arith.constant 464 : index
        %swap3A_197 = tpu.vector_load %arg9[%swap3A_195, %swap3A_196] {strides = array<i32>} : memref<40x512xf32, #tpu.memory_space<vmem>>, vector<1x16xf32>,
        %swap3A_198 = vector.shape_cast %swap3A_197 : vector<1x16xf32> to vector<16xf32>
        %swap3A_199 = vector.shape_cast %get3A_194 : vector<16xf32> to vector<1x16xf32>
        tpu.vector_store %arg9[%swap3A_195, %swap3A_196], %swap3A_199 {strides = array<i32>} : memref<40x512xf32, #tpu.memory_space<vmem>>, vector<1x16xf32>,
        %get3A_200 = arith.index_cast %scan3A_178 : i32 to index
        %get3A_201 = arith.constant 96 : index
        %get3A_202 = tpu.vector_load %arg13[%get3A_200, %get3A_201] {strides = array<i32>} : memref<40x128xf32, #tpu.memory_space<vmem>>, vector<1x16xf32>,
        %get3A_203 = vector.shape_cast %get3A_202 : vector<1x16xf32> to vector<16xf32>
        %swap3A_204 = arith.index_cast %scan3A_178 : i32 to index
        %swap3A_205 = arith.constant 480 : index
        %swap3A_206 = tpu.vector_load %arg9[%swap3A_204, %swap3A_205] {strides = array<i32>} : memref<40x512xf32, #tpu.memory_space<vmem>>, vector<1x16xf32>,
        %swap3A_207 = vector.shape_cast %swap3A_206 : vector<1x16xf32> to vector<16xf32>
        %swap3A_208 = vector.shape_cast %get3A_203 : vector<16xf32> to vector<1x16xf32>
        tpu.vector_store %arg9[%swap3A_204, %swap3A_205], %swap3A_208 {strides = array<i32>} : memref<40x512xf32, #tpu.memory_space<vmem>>, vector<1x16xf32>,
        %get3A_209 = arith.index_cast %scan3A_178 : i32 to index
        %get3A_210 = arith.constant 112 : index
        %get3A_211 = tpu.vector_load %arg13[%get3A_209, %get3A_210] {strides = array<i32>} : memref<40x128xf32, #tpu.memory_space<vmem>>, vector<1x16xf32>,
        %get3A_212 = vector.shape_cast %get3A_211 : vector<1x16xf32> to vector<16xf32>
        %swap3A_213 = arith.index_cast %scan3A_178 : i32 to index
        %swap3A_214 = arith.constant 496 : index
        %swap3A_215 = tpu.vector_load %arg9[%swap3A_213, %swap3A_214] {strides = array<i32>} : memref<40x512xf32, #tpu.memory_space<vmem>>, vector<1x16xf32>,
        %swap3A_216 = vector.shape_cast %swap3A_215 : vector<1x16xf32> to vector<16xf32>
        %swap3A_217 = vector.shape_cast %get3A_212 : vector<16xf32> to vector<1x16xf32>
        tpu.vector_store %arg9[%swap3A_213, %swap3A_214], %swap3A_217 {strides = array<i32>} : memref<40x512xf32, #tpu.memory_space<vmem>>, vector<1x16xf32>,
      }
      %scan3A_83 = arith.constant 40 : i32
      %add3A_84 = arith.constant 0 : i32
      %add3A_85 = arith.addi %mul3A_23, %add3A_84 : i32
      %mul3A_86 = arith.constant 40 : i32
      %mul3A_87 = arith.muli %add3A_85, %mul3A_86 : i32
      %add3A_88 = arith.addi %mul3A_2, %mul3A_87 : i32
      %dma_start3A_89 = arith.constant 0 : i32
      %dma_start3A_90 = tpu.memref_slice %arg6[%add3A_88, %dma_start3A_89] : memref<204800x512xf32, #tpu.memory_space<hbm>> -> memref<40x512xf32, #tpu.memory_space<hbm>>
      %dma_start3A_91 = arith.constant 0 : i32
      %dma_start3A_92 = tpu.memref_slice %arg6[%add3A_88, %dma_start3A_91] : memref<204800x512xf32, #tpu.memory_space<hbm>> -> memref<40x512xf32, #tpu.memory_space<hbm>>
      tpu.enqueue_dma source(%arg9 : memref<40x512xf32, #tpu.memory_space<vmem>>) target(%dma_start3A_92 : memref<40x512xf32, #tpu.memory_space<hbm>>) target_semaphore(%arg25 : memref<!tpu.dma_semaphore, #tpu.memory_space<semaphore_mem>>)
      %dma_wait3A_93 = tpu.memref_slice %arg7[%mul3A_38] : memref<2560xi32, #tpu.memory_space<vmem>> -> memref<40xi32, #tpu.memory_space<vmem>>
      %dma_wait3A_94 = arith.constant 0 : i32
      %dma_wait3A_95 = arith.constant 0 : i32
      %dma_wait3A_96 = tpu.memref_slice %arg2[%dma_wait3A_94, %dma_wait3A_95] : memref<3456x512xf32, #tpu.memory_space<hbm>> -> memref<3456x512xf32, #tpu.memory_space<hbm>>
      tpu.wait_indirect_dma semaphore(%arg18 : memref<!tpu.dma_semaphore, #tpu.memory_space<semaphore_mem>>) src(%dma_wait3A_96 : memref<3456x512xf32, #tpu.memory_space<hbm>>) dst(%arg10 : memref<40x512xf32, #tpu.memory_space<vmem>>)
      %dma_wait3A_97 = tpu.memref_slice %arg8[%mul3A_38] : memref<2560xi32, #tpu.memory_space<vmem>> -> memref<40xi32, #tpu.memory_space<vmem>>
      %dma_wait3A_98 = arith.constant 0 : i32
      %dma_wait3A_99 = arith.constant 0 : i32
      %dma_wait3A_100 = tpu.memref_slice %arg3[%dma_wait3A_98, %dma_wait3A_99] : memref<41616x128xf32, #tpu.memory_space<hbm>> -> memref<41616x128xf32, #tpu.memory_space<hbm>>
      tpu.wait_indirect_dma semaphore(%arg22 : memref<!tpu.dma_semaphore, #tpu.memory_space<semaphore_mem>>) src(%dma_wait3A_100 : memref<41616x128xf32, #tpu.memory_space<hbm>>) dst(%arg14 : memref<40x128xf32, #tpu.memory_space<vmem>>)
      %scan3A_101 = arith.constant 0 : i32
      %scan3A_102 = arith.constant 0 : i32
      %scan3A_103 = arith.constant 40 : i32
      %scan3A_104 = arith.addi %scan3A_102, %scan3A_103 : i32
      %scan3A_105 = arith.constant 1 : i32
      scf.for %scan3A_178 = %scan3A_102 to %scan3A_104 step %scan3A_105  : i32 {
        %get3A = arith.index_cast %scan3A_178 : i32 to index
        %get3A_179 = arith.constant 448 : index
        %get3A_180 = tpu.vector_load %arg10[%get3A, %get3A_179] {strides = array<i32>} : memref<40x512xf32, #tpu.memory_space<vmem>>, vector<1x16xf32>,
        %get3A_181 = vector.shape_cast %get3A_180 : vector<1x16xf32> to vector<16xf32>
        %get3A_182 = arith.index_cast %scan3A_178 : i32 to index
        %get3A_183 = arith.constant 64 : index
        %get3A_184 = tpu.vector_load %arg14[%get3A_182, %get3A_183] {strides = array<i32>} : memref<40x128xf32, #tpu.memory_space<vmem>>, vector<1x16xf32>,
        %get3A_185 = vector.shape_cast %get3A_184 : vector<1x16xf32> to vector<16xf32>
        %add3A_186 = arith.addf %get3A_181, %get3A_185 : vector<16xf32>
        %swap3A = arith.index_cast %scan3A_178 : i32 to index
        %swap3A_187 = arith.constant 448 : index
        %swap3A_188 = tpu.vector_load %arg10[%swap3A, %swap3A_187] {strides = array<i32>} : memref<40x512xf32, #tpu.memory_space<vmem>>, vector<1x16xf32>,
        %swap3A_189 = vector.shape_cast %swap3A_188 : vector<1x16xf32> to vector<16xf32>
        %swap3A_190 = vector.shape_cast %add3A_186 : vector<16xf32> to vector<1x16xf32>
        tpu.vector_store %arg10[%swap3A, %swap3A_187], %swap3A_190 {strides = array<i32>} : memref<40x512xf32, #tpu.memory_space<vmem>>, vector<1x16xf32>,
        %get3A_191 = arith.index_cast %scan3A_178 : i32 to index
        %get3A_192 = arith.constant 80 : index
        %get3A_193 = tpu.vector_load %arg14[%get3A_191, %get3A_192] {strides = array<i32>} : memref<40x128xf32, #tpu.memory_space<vmem>>, vector<1x16xf32>,
        %get3A_194 = vector.shape_cast %get3A_193 : vector<1x16xf32> to vector<16xf32>
        %swap3A_195 = arith.index_cast %scan3A_178 : i32 to index
        %swap3A_196 = arith.constant 464 : index
        %swap3A_197 = tpu.vector_load %arg10[%swap3A_195, %swap3A_196] {strides = array<i32>} : memref<40x512xf32, #tpu.memory_space<vmem>>, vector<1x16xf32>,
        %swap3A_198 = vector.shape_cast %swap3A_197 : vector<1x16xf32> to vector<16xf32>
        %swap3A_199 = vector.shape_cast %get3A_194 : vector<16xf32> to vector<1x16xf32>
        tpu.vector_store %arg10[%swap3A_195, %swap3A_196], %swap3A_199 {strides = array<i32>} : memref<40x512xf32, #tpu.memory_space<vmem>>, vector<1x16xf32>,
        %get3A_200 = arith.index_cast %scan3A_178 : i32 to index
        %get3A_201 = arith.constant 96 : index
        %get3A_202 = tpu.vector_load %arg14[%get3A_200, %get3A_201] {strides = array<i32>} : memref<40x128xf32, #tpu.memory_space<vmem>>, vector<1x16xf32>,
        %get3A_203 = vector.shape_cast %get3A_202 : vector<1x16xf32> to vector<16xf32>
        %swap3A_204 = arith.index_cast %scan3A_178 : i32 to index
        %swap3A_205 = arith.constant 480 : index
        %swap3A_206 = tpu.vector_load %arg10[%swap3A_204, %swap3A_205] {strides = array<i32>} : memref<40x512xf32, #tpu.memory_space<vmem>>, vector<1x16xf32>,
        %swap3A_207 = vector.shape_cast %swap3A_206 : vector<1x16xf32> to vector<16xf32>
        %swap3A_208 = vector.shape_cast %get3A_203 : vector<16xf32> to vector<1x16xf32>
        tpu.vector_store %arg10[%swap3A_204, %swap3A_205], %swap3A_208 {strides = array<i32>} : memref<40x512xf32, #tpu.memory_space<vmem>>, vector<1x16xf32>,
        %get3A_209 = arith.index_cast %scan3A_178 : i32 to index
        %get3A_210 = arith.constant 112 : index
        %get3A_211 = tpu.vector_load %arg14[%get3A_209, %get3A_210] {strides = array<i32>} : memref<40x128xf32, #tpu.memory_space<vmem>>, vector<1x16xf32>,
        %get3A_212 = vector.shape_cast %get3A_211 : vector<1x16xf32> to vector<16xf32>
        %swap3A_213 = arith.index_cast %scan3A_178 : i32 to index
        %swap3A_214 = arith.constant 496 : index
        %swap3A_215 = tpu.vector_load %arg10[%swap3A_213, %swap3A_214] {strides = array<i32>} : memref<40x512xf32, #tpu.memory_space<vmem>>, vector<1x16xf32>,
        %swap3A_216 = vector.shape_cast %swap3A_215 : vector<1x16xf32> to vector<16xf32>
        %swap3A_217 = vector.shape_cast %get3A_212 : vector<16xf32> to vector<1x16xf32>
        tpu.vector_store %arg10[%swap3A_213, %swap3A_214], %swap3A_217 {strides = array<i32>} : memref<40x512xf32, #tpu.memory_space<vmem>>, vector<1x16xf32>,
      }
      %scan3A_106 = arith.constant 40 : i32
      %add3A_107 = arith.constant 1 : i32
      %add3A_108 = arith.addi %mul3A_23, %add3A_107 : i32
      %mul3A_109 = arith.constant 40 : i32
      %mul3A_110 = arith.muli %add3A_108, %mul3A_109 : i32
      %add3A_111 = arith.addi %mul3A_2, %mul3A_110 : i32
      %dma_start3A_112 = arith.constant 0 : i32
      %dma_start3A_113 = tpu.memref_slice %arg6[%add3A_111, %dma_start3A_112] : memref<204800x512xf32, #tpu.memory_space<hbm>> -> memref<40x512xf32, #tpu.memory_space<hbm>>
      %dma_start3A_114 = arith.constant 0 : i32
      %dma_start3A_115 = tpu.memref_slice %arg6[%add3A_111, %dma_start3A_114] : memref<204800x512xf32, #tpu.memory_space<hbm>> -> memref<40x512xf32, #tpu.memory_space<hbm>>
      tpu.enqueue_dma source(%arg10 : memref<40x512xf32, #tpu.memory_space<vmem>>) target(%dma_start3A_115 : memref<40x512xf32, #tpu.memory_space<hbm>>) target_semaphore(%arg26 : memref<!tpu.dma_semaphore, #tpu.memory_space<semaphore_mem>>)
      %dma_wait3A_116 = tpu.memref_slice %arg7[%mul3A_50] : memref<2560xi32, #tpu.memory_space<vmem>> -> memref<40xi32, #tpu.memory_space<vmem>>
      %dma_wait3A_117 = arith.constant 0 : i32
      %dma_wait3A_118 = arith.constant 0 : i32
      %dma_wait3A_119 = tpu.memref_slice %arg2[%dma_wait3A_117, %dma_wait3A_118] : memref<3456x512xf32, #tpu.memory_space<hbm>> -> memref<3456x512xf32, #tpu.memory_space<hbm>>
      tpu.wait_indirect_dma semaphore(%arg19 : memref<!tpu.dma_semaphore, #tpu.memory_space<semaphore_mem>>) src(%dma_wait3A_119 : memref<3456x512xf32, #tpu.memory_space<hbm>>) dst(%arg11 : memref<40x512xf32, #tpu.memory_space<vmem>>)
      %dma_wait3A_120 = tpu.memref_slice %arg8[%mul3A_50] : memref<2560xi32, #tpu.memory_space<vmem>> -> memref<40xi32, #tpu.memory_space<vmem>>
      %dma_wait3A_121 = arith.constant 0 : i32
      %dma_wait3A_122 = arith.constant 0 : i32
      %dma_wait3A_123 = tpu.memref_slice %arg3[%dma_wait3A_121, %dma_wait3A_122] : memref<41616x128xf32, #tpu.memory_space<hbm>> -> memref<41616x128xf32, #tpu.memory_space<hbm>>
      tpu.wait_indirect_dma semaphore(%arg23 : memref<!tpu.dma_semaphore, #tpu.memory_space<semaphore_mem>>) src(%dma_wait3A_123 : memref<41616x128xf32, #tpu.memory_space<hbm>>) dst(%arg15 : memref<40x128xf32, #tpu.memory_space<vmem>>)
      %scan3A_124 = arith.constant 0 : i32
      %scan3A_125 = arith.constant 0 : i32
      %scan3A_126 = arith.constant 40 : i32
      %scan3A_127 = arith.addi %scan3A_125, %scan3A_126 : i32
      %scan3A_128 = arith.constant 1 : i32
      scf.for %scan3A_178 = %scan3A_125 to %scan3A_127 step %scan3A_128  : i32 {
        %get3A = arith.index_cast %scan3A_178 : i32 to index
        %get3A_179 = arith.constant 448 : index
        %get3A_180 = tpu.vector_load %arg11[%get3A, %get3A_179] {strides = array<i32>} : memref<40x512xf32, #tpu.memory_space<vmem>>, vector<1x16xf32>,
        %get3A_181 = vector.shape_cast %get3A_180 : vector<1x16xf32> to vector<16xf32>
        %get3A_182 = arith.index_cast %scan3A_178 : i32 to index
        %get3A_183 = arith.constant 64 : index
        %get3A_184 = tpu.vector_load %arg15[%get3A_182, %get3A_183] {strides = array<i32>} : memref<40x128xf32, #tpu.memory_space<vmem>>, vector<1x16xf32>,
        %get3A_185 = vector.shape_cast %get3A_184 : vector<1x16xf32> to vector<16xf32>
        %add3A_186 = arith.addf %get3A_181, %get3A_185 : vector<16xf32>
        %swap3A = arith.index_cast %scan3A_178 : i32 to index
        %swap3A_187 = arith.constant 448 : index
        %swap3A_188 = tpu.vector_load %arg11[%swap3A, %swap3A_187] {strides = array<i32>} : memref<40x512xf32, #tpu.memory_space<vmem>>, vector<1x16xf32>,
        %swap3A_189 = vector.shape_cast %swap3A_188 : vector<1x16xf32> to vector<16xf32>
        %swap3A_190 = vector.shape_cast %add3A_186 : vector<16xf32> to vector<1x16xf32>
        tpu.vector_store %arg11[%swap3A, %swap3A_187], %swap3A_190 {strides = array<i32>} : memref<40x512xf32, #tpu.memory_space<vmem>>, vector<1x16xf32>,
        %get3A_191 = arith.index_cast %scan3A_178 : i32 to index
        %get3A_192 = arith.constant 80 : index
        %get3A_193 = tpu.vector_load %arg15[%get3A_191, %get3A_192] {strides = array<i32>} : memref<40x128xf32, #tpu.memory_space<vmem>>, vector<1x16xf32>,
        %get3A_194 = vector.shape_cast %get3A_193 : vector<1x16xf32> to vector<16xf32>
        %swap3A_195 = arith.index_cast %scan3A_178 : i32 to index
        %swap3A_196 = arith.constant 464 : index
        %swap3A_197 = tpu.vector_load %arg11[%swap3A_195, %swap3A_196] {strides = array<i32>} : memref<40x512xf32, #tpu.memory_space<vmem>>, vector<1x16xf32>,
        %swap3A_198 = vector.shape_cast %swap3A_197 : vector<1x16xf32> to vector<16xf32>
        %swap3A_199 = vector.shape_cast %get3A_194 : vector<16xf32> to vector<1x16xf32>
        tpu.vector_store %arg11[%swap3A_195, %swap3A_196], %swap3A_199 {strides = array<i32>} : memref<40x512xf32, #tpu.memory_space<vmem>>, vector<1x16xf32>,
        %get3A_200 = arith.index_cast %scan3A_178 : i32 to index
        %get3A_201 = arith.constant 96 : index
        %get3A_202 = tpu.vector_load %arg15[%get3A_200, %get3A_201] {strides = array<i32>} : memref<40x128xf32, #tpu.memory_space<vmem>>, vector<1x16xf32>,
        %get3A_203 = vector.shape_cast %get3A_202 : vector<1x16xf32> to vector<16xf32>
        %swap3A_204 = arith.index_cast %scan3A_178 : i32 to index
        %swap3A_205 = arith.constant 480 : index
        %swap3A_206 = tpu.vector_load %arg11[%swap3A_204, %swap3A_205] {strides = array<i32>} : memref<40x512xf32, #tpu.memory_space<vmem>>, vector<1x16xf32>,
        %swap3A_207 = vector.shape_cast %swap3A_206 : vector<1x16xf32> to vector<16xf32>
        %swap3A_208 = vector.shape_cast %get3A_203 : vector<16xf32> to vector<1x16xf32>
        tpu.vector_store %arg11[%swap3A_204, %swap3A_205], %swap3A_208 {strides = array<i32>} : memref<40x512xf32, #tpu.memory_space<vmem>>, vector<1x16xf32>,
        %get3A_209 = arith.index_cast %scan3A_178 : i32 to index
        %get3A_210 = arith.constant 112 : index
        %get3A_211 = tpu.vector_load %arg15[%get3A_209, %get3A_210] {strides = array<i32>} : memref<40x128xf32, #tpu.memory_space<vmem>>, vector<1x16xf32>,
        %get3A_212 = vector.shape_cast %get3A_211 : vector<1x16xf32> to vector<16xf32>
        %swap3A_213 = arith.index_cast %scan3A_178 : i32 to index
        %swap3A_214 = arith.constant 496 : index
        %swap3A_215 = tpu.vector_load %arg11[%swap3A_213, %swap3A_214] {strides = array<i32>} : memref<40x512xf32, #tpu.memory_space<vmem>>, vector<1x16xf32>,
        %swap3A_216 = vector.shape_cast %swap3A_215 : vector<1x16xf32> to vector<16xf32>
        %swap3A_217 = vector.shape_cast %get3A_212 : vector<16xf32> to vector<1x16xf32>
        tpu.vector_store %arg11[%swap3A_213, %swap3A_214], %swap3A_217 {strides = array<i32>} : memref<40x512xf32, #tpu.memory_space<vmem>>, vector<1x16xf32>,
      }
      %scan3A_129 = arith.constant 40 : i32
      %add3A_130 = arith.constant 2 : i32
      %add3A_131 = arith.addi %mul3A_23, %add3A_130 : i32
      %mul3A_132 = arith.constant 40 : i32
      %mul3A_133 = arith.muli %add3A_131, %mul3A_132 : i32
      %add3A_134 = arith.addi %mul3A_2, %mul3A_133 : i32
      %dma_start3A_135 = arith.constant 0 : i32
      %dma_start3A_136 = tpu.memref_slice %arg6[%add3A_134, %dma_start3A_135] : memref<204800x512xf32, #tpu.memory_space<hbm>> -> memref<40x512xf32, #tpu.memory_space<hbm>>
      %dma_start3A_137 = arith.constant 0 : i32
      %dma_start3A_138 = tpu.memref_slice %arg6[%add3A_134, %dma_start3A_137] : memref<204800x512xf32, #tpu.memory_space<hbm>> -> memref<40x512xf32, #tpu.memory_space<hbm>>
      tpu.enqueue_dma source(%arg11 : memref<40x512xf32, #tpu.memory_space<vmem>>) target(%dma_start3A_138 : memref<40x512xf32, #tpu.memory_space<hbm>>) target_semaphore(%arg27 : memref<!tpu.dma_semaphore, #tpu.memory_space<semaphore_mem>>)
      %dma_wait3A_139 = tpu.memref_slice %arg7[%mul3A_62] : memref<2560xi32, #tpu.memory_space<vmem>> -> memref<40xi32, #tpu.memory_space<vmem>>
      %dma_wait3A_140 = arith.constant 0 : i32
      %dma_wait3A_141 = arith.constant 0 : i32
      %dma_wait3A_142 = tpu.memref_slice %arg2[%dma_wait3A_140, %dma_wait3A_141] : memref<3456x512xf32, #tpu.memory_space<hbm>> -> memref<3456x512xf32, #tpu.memory_space<hbm>>
      tpu.wait_indirect_dma semaphore(%arg20 : memref<!tpu.dma_semaphore, #tpu.memory_space<semaphore_mem>>) src(%dma_wait3A_142 : memref<3456x512xf32, #tpu.memory_space<hbm>>) dst(%arg12 : memref<40x512xf32, #tpu.memory_space<vmem>>)
      %dma_wait3A_143 = tpu.memref_slice %arg8[%mul3A_62] : memref<2560xi32, #tpu.memory_space<vmem>> -> memref<40xi32, #tpu.memory_space<vmem>>
      %dma_wait3A_144 = arith.constant 0 : i32
      %dma_wait3A_145 = arith.constant 0 : i32
      %dma_wait3A_146 = tpu.memref_slice %arg3[%dma_wait3A_144, %dma_wait3A_145] : memref<41616x128xf32, #tpu.memory_space<hbm>> -> memref<41616x128xf32, #tpu.memory_space<hbm>>
      tpu.wait_indirect_dma semaphore(%arg24 : memref<!tpu.dma_semaphore, #tpu.memory_space<semaphore_mem>>) src(%dma_wait3A_146 : memref<41616x128xf32, #tpu.memory_space<hbm>>) dst(%arg16 : memref<40x128xf32, #tpu.memory_space<vmem>>)
      %scan3A_147 = arith.constant 0 : i32
      %scan3A_148 = arith.constant 0 : i32
      %scan3A_149 = arith.constant 40 : i32
      %scan3A_150 = arith.addi %scan3A_148, %scan3A_149 : i32
      %scan3A_151 = arith.constant 1 : i32
      scf.for %scan3A_178 = %scan3A_148 to %scan3A_150 step %scan3A_151  : i32 {
        %get3A = arith.index_cast %scan3A_178 : i32 to index
        %get3A_179 = arith.constant 448 : index
        %get3A_180 = tpu.vector_load %arg12[%get3A, %get3A_179] {strides = array<i32>} : memref<40x512xf32, #tpu.memory_space<vmem>>, vector<1x16xf32>,
        %get3A_181 = vector.shape_cast %get3A_180 : vector<1x16xf32> to vector<16xf32>
        %get3A_182 = arith.index_cast %scan3A_178 : i32 to index
        %get3A_183 = arith.constant 64 : index
        %get3A_184 = tpu.vector_load %arg16[%get3A_182, %get3A_183] {strides = array<i32>} : memref<40x128xf32, #tpu.memory_space<vmem>>, vector<1x16xf32>,
        %get3A_185 = vector.shape_cast %get3A_184 : vector<1x16xf32> to vector<16xf32>
        %add3A_186 = arith.addf %get3A_181, %get3A_185 : vector<16xf32>
        %swap3A = arith.index_cast %scan3A_178 : i32 to index
        %swap3A_187 = arith.constant 448 : index
        %swap3A_188 = tpu.vector_load %arg12[%swap3A, %swap3A_187] {strides = array<i32>} : memref<40x512xf32, #tpu.memory_space<vmem>>, vector<1x16xf32>,
        %swap3A_189 = vector.shape_cast %swap3A_188 : vector<1x16xf32> to vector<16xf32>
        %swap3A_190 = vector.shape_cast %add3A_186 : vector<16xf32> to vector<1x16xf32>
        tpu.vector_store %arg12[%swap3A, %swap3A_187], %swap3A_190 {strides = array<i32>} : memref<40x512xf32, #tpu.memory_space<vmem>>, vector<1x16xf32>,
        %get3A_191 = arith.index_cast %scan3A_178 : i32 to index
        %get3A_192 = arith.constant 80 : index
        %get3A_193 = tpu.vector_load %arg16[%get3A_191, %get3A_192] {strides = array<i32>} : memref<40x128xf32, #tpu.memory_space<vmem>>, vector<1x16xf32>,
        %get3A_194 = vector.shape_cast %get3A_193 : vector<1x16xf32> to vector<16xf32>
        %swap3A_195 = arith.index_cast %scan3A_178 : i32 to index
        %swap3A_196 = arith.constant 464 : index
        %swap3A_197 = tpu.vector_load %arg12[%swap3A_195, %swap3A_196] {strides = array<i32>} : memref<40x512xf32, #tpu.memory_space<vmem>>, vector<1x16xf32>,
        %swap3A_198 = vector.shape_cast %swap3A_197 : vector<1x16xf32> to vector<16xf32>
        %swap3A_199 = vector.shape_cast %get3A_194 : vector<16xf32> to vector<1x16xf32>
        tpu.vector_store %arg12[%swap3A_195, %swap3A_196], %swap3A_199 {strides = array<i32>} : memref<40x512xf32, #tpu.memory_space<vmem>>, vector<1x16xf32>,
        %get3A_200 = arith.index_cast %scan3A_178 : i32 to index
        %get3A_201 = arith.constant 96 : index
        %get3A_202 = tpu.vector_load %arg16[%get3A_200, %get3A_201] {strides = array<i32>} : memref<40x128xf32, #tpu.memory_space<vmem>>, vector<1x16xf32>,
        %get3A_203 = vector.shape_cast %get3A_202 : vector<1x16xf32> to vector<16xf32>
        %swap3A_204 = arith.index_cast %scan3A_178 : i32 to index
        %swap3A_205 = arith.constant 480 : index
        %swap3A_206 = tpu.vector_load %arg12[%swap3A_204, %swap3A_205] {strides = array<i32>} : memref<40x512xf32, #tpu.memory_space<vmem>>, vector<1x16xf32>,
        %swap3A_207 = vector.shape_cast %swap3A_206 : vector<1x16xf32> to vector<16xf32>
        %swap3A_208 = vector.shape_cast %get3A_203 : vector<16xf32> to vector<1x16xf32>
        tpu.vector_store %arg12[%swap3A_204, %swap3A_205], %swap3A_208 {strides = array<i32>} : memref<40x512xf32, #tpu.memory_space<vmem>>, vector<1x16xf32>,
        %get3A_209 = arith.index_cast %scan3A_178 : i32 to index
        %get3A_210 = arith.constant 112 : index
        %get3A_211 = tpu.vector_load %arg16[%get3A_209, %get3A_210] {strides = array<i32>} : memref<40x128xf32, #tpu.memory_space<vmem>>, vector<1x16xf32>,
        %get3A_212 = vector.shape_cast %get3A_211 : vector<1x16xf32> to vector<16xf32>
        %swap3A_213 = arith.index_cast %scan3A_178 : i32 to index
        %swap3A_214 = arith.constant 496 : index
        %swap3A_215 = tpu.vector_load %arg12[%swap3A_213, %swap3A_214] {strides = array<i32>} : memref<40x512xf32, #tpu.memory_space<vmem>>, vector<1x16xf32>,
        %swap3A_216 = vector.shape_cast %swap3A_215 : vector<1x16xf32> to vector<16xf32>
        %swap3A_217 = vector.shape_cast %get3A_212 : vector<16xf32> to vector<1x16xf32>
        tpu.vector_store %arg12[%swap3A_213, %swap3A_214], %swap3A_217 {strides = array<i32>} : memref<40x512xf32, #tpu.memory_space<vmem>>, vector<1x16xf32>,
      }
      %scan3A_152 = arith.constant 40 : i32
      %add3A_153 = arith.constant 3 : i32
      %add3A_154 = arith.addi %mul3A_23, %add3A_153 : i32
      %mul3A_155 = arith.constant 40 : i32
      %mul3A_156 = arith.muli %add3A_154, %mul3A_155 : i32
      %add3A_157 = arith.addi %mul3A_2, %mul3A_156 : i32
      %dma_start3A_158 = arith.constant 0 : i32
      %dma_start3A_159 = tpu.memref_slice %arg6[%add3A_157, %dma_start3A_158] : memref<204800x512xf32, #tpu.memory_space<hbm>> -> memref<40x512xf32, #tpu.memory_space<hbm>>
      %dma_start3A_160 = arith.constant 0 : i32
      %dma_start3A_161 = tpu.memref_slice %arg6[%add3A_157, %dma_start3A_160] : memref<204800x512xf32, #tpu.memory_space<hbm>> -> memref<40x512xf32, #tpu.memory_space<hbm>>
      tpu.enqueue_dma source(%arg12 : memref<40x512xf32, #tpu.memory_space<vmem>>) target(%dma_start3A_161 : memref<40x512xf32, #tpu.memory_space<hbm>>) target_semaphore(%arg28 : memref<!tpu.dma_semaphore, #tpu.memory_space<semaphore_mem>>)
      %dma_wait3A_162 = arith.constant 0 : i32
      %dma_wait3A_163 = tpu.memref_slice %arg6[%add3A_88, %dma_wait3A_162] : memref<204800x512xf32, #tpu.memory_space<hbm>> -> memref<40x512xf32, #tpu.memory_space<hbm>>
      %dma_wait3A_164 = arith.constant 0 : i32
      %dma_wait3A_165 = tpu.memref_slice %arg6[%add3A_88, %dma_wait3A_164] : memref<204800x512xf32, #tpu.memory_space<hbm>> -> memref<40x512xf32, #tpu.memory_space<hbm>>
      tpu.wait_dma2 semaphore(%arg25 : memref<!tpu.dma_semaphore, #tpu.memory_space<semaphore_mem>>) src(%arg9 : memref<40x512xf32, #tpu.memory_space<vmem>>) dst(%dma_wait3A_165 : memref<40x512xf32, #tpu.memory_space<hbm>>)
      %dma_wait3A_166 = arith.constant 0 : i32
      %dma_wait3A_167 = tpu.memref_slice %arg6[%add3A_111, %dma_wait3A_166] : memref<204800x512xf32, #tpu.memory_space<hbm>> -> memref<40x512xf32, #tpu.memory_space<hbm>>
      %dma_wait3A_168 = arith.constant 0 : i32
      %dma_wait3A_169 = tpu.memref_slice %arg6[%add3A_111, %dma_wait3A_168] : memref<204800x512xf32, #tpu.memory_space<hbm>> -> memref<40x512xf32, #tpu.memory_space<hbm>>
      tpu.wait_dma2 semaphore(%arg26 : memref<!tpu.dma_semaphore, #tpu.memory_space<semaphore_mem>>) src(%arg10 : memref<40x512xf32, #tpu.memory_space<vmem>>) dst(%dma_wait3A_169 : memref<40x512xf32, #tpu.memory_space<hbm>>)
      %dma_wait3A_170 = arith.constant 0 : i32
      %dma_wait3A_171 = tpu.memref_slice %arg6[%add3A_134, %dma_wait3A_170] : memref<204800x512xf32, #tpu.memory_space<hbm>> -> memref<40x512xf32, #tpu.memory_space<hbm>>
      %dma_wait3A_172 = arith.constant 0 : i32
      %dma_wait3A_173 = tpu.memref_slice %arg6[%add3A_134, %dma_wait3A_172] : memref<204800x512xf32, #tpu.memory_space<hbm>> -> memref<40x512xf32, #tpu.memory_space<hbm>>
      tpu.wait_dma2 semaphore(%arg27 : memref<!tpu.dma_semaphore, #tpu.memory_space<semaphore_mem>>) src(%arg11 : memref<40x512xf32, #tpu.memory_space<vmem>>) dst(%dma_wait3A_173 : memref<40x512xf32, #tpu.memory_space<hbm>>)
      %dma_wait3A_174 = arith.constant 0 : i32
      %dma_wait3A_175 = tpu.memref_slice %arg6[%add3A_157, %dma_wait3A_174] : memref<204800x512xf32, #tpu.memory_space<hbm>> -> memref<40x512xf32, #tpu.memory_space<hbm>>
      %dma_wait3A_176 = arith.constant 0 : i32
      %dma_wait3A_177 = tpu.memref_slice %arg6[%add3A_157, %dma_wait3A_176] : memref<204800x512xf32, #tpu.memory_space<hbm>> -> memref<40x512xf32, #tpu.memory_space<hbm>>
      tpu.wait_dma2 semaphore(%arg28 : memref<!tpu.dma_semaphore, #tpu.memory_space<semaphore_mem>>) src(%arg12 : memref<40x512xf32, #tpu.memory_space<vmem>>) dst(%dma_wait3A_177 : memref<40x512xf32, #tpu.memory_space<hbm>>)
    }
    %scan3A_20 = arith.constant 16 : i32
    return
  }
}

</mosaic_0001>

<sc_bundles>
// kernel: _run_sc.3.cloned.1.call-start
scs
__scs_entry_jumppad:
0x0: {  	(pc) =	sbr.rel $0x88, $3  }
0x1: {  	(tag) =	ssettag $0x0;
	lr =	simm.s32 $0x1  }
0x2: {  	[smem:$0x3F9D] =	sst lr;
	_ =	strace $0xD0000000  }
0x3: {  	_ = 	snop  }
0x4: {  	_ = 	snop  }
0x5: {  	_ = 	snop  }
0x6: {  	_ = 	snop  }
0x7: {  	_ = 	snop  }
__scs_overlays_trampoline_lowered:
0x8: {  	[smem:$0x3FAC] =	sst s0  }
0x9: {  	[smem:$0x3FAD] =	sst s1  }
0xa: {  	[smem:$0x3FAE] =	sst s2  }
0xb: {  	[smem:$0x3FAF] =	sst s3  }
0xc: {  	[smem:$0x3FB0] =	sst s4  }
0xd: {  	[smem:$0x3FB1] =	sst s5  }
0xe: {  	[smem:$0x3FB2] =	sst s6  }
0xf: {  	[smem:$0x3FB3] =	sst s7  }
0x10: {  	[smem:$0x3FB4] =	sst s8  }
0x11: {  	[smem:$0x3FB5] =	sst s9;
	s0 =	simm.s32 @!p0 $0x0  }
0x12: {  	s1 =	sld [smem:$0x3F9B];
	s0 =	simm.s32 @p0 $0x1  }
0x13: {  	[smem:$0x3FB6] =	sst s0;
	s0 =	simm.s32 @!p1 $0x0  }
0x14: {  	s2 =	sld [smem:$0x3F9A];
	s0 =	simm.s32 @p1 $0x1  }
0x15: {  	[smem:$0x3FB7] =	sst s0;
	s0 =	simm.s32 @!p2 $0x0  }
0x16: {  	s3 =	sld [smem:$0x3FDB];
	s0 =	simm.s32 @p2 $0x1  }
0x17: {  	s4 =	simm.s32 $0x1BF5;
	[smem:$0x3FB9] =	sst s0  }
0x18: {  	s0 =	sld [smem:$0x3F9C];
	_ =	swait.ge [sflag:s4], $0x0  }
0x19: {  	s7 =	sld [smem:$0x3F9D]  }
0x1a: {  	s8 =	sadd.s32 $0xFFFFE003, lr  }
0x1b: {  	s9 =	sadd.s32 $0xFFFFFEF7, lr;
	s5 =	simm.s32 $0xFFFFFFFF;
	p2 =	slt.u32 s8, $0xFFFFF086  }
0x1c: {  	p1 =	slt.u32 s9, $0xF7A;
	s5 =	simm.s32 @!p2 $0x0  }
0x1d: {  	s5 =	simm.s32 @p1 $0x1;
	p0 =	seq.s32 s7, s2  }
0x1e: {  	s7 =	smul.u32 @!p0 $0xF7A, s2;
	p2 =	seq.s32 @!p0 s5, $0x0  }
0x1f: {  	s9 =	smul.u32 $0xF7A, s1;
	s8 =	simm.s32 @!p0 $0x1BF5;
	p2 =	por !p2, p0  }
0x20: {  	[sflag:s8] =	ssyncset.s32 @!p0 $0xFFFFF086;
	s6 =	sadd.s32 @!p0 s3, s7;
	s7 =	simm.s32 @!p0 $0x108  }
0x21: {  	s3 =	sadd.s32 s3, s9;
	s6 =	sadd.s32 @!p0 $0x88, s6;
	s7 =	simm.s32 @p2 $0x1082  }
0x22: {  	[simem:s7], [sflag:s8] =	dma.local @!p0 [hbm:s6], $0xF7A  }
0x23: {  	s9 =	sor.u32 $0xD0000000, s2;
	s6 =	simm.s32 $0x108;
	_ =	swait.ge @!p0 [sflag:s8], $0x0  }
0x24: {  	s3 =	sadd.s32 $0x88, s3;
	s6 =	simm.s32 @!p1 $0x1082;
	[sflag:s4] =	ssyncset.s32 $0xFFFFF086  }
0x25: {  	[simem:s6], [sflag:s4] =	dma.local [hbm:s3], $0xF7A  }
0x26: {  	[smem:$0x3F9D] =	sst s1;
	(tag) =	ssettag s2;
	_ =	strace s9  }
0x27: {  	s1 =	sld [smem:$0x3FAD]  }
0x28: {  	s2 =	sld [smem:$0x3FAE]  }
0x29: {  	s4 =	sld [smem:$0x3FB0]  }
0x2a: {  	p0 =	seq.s32 s5, $0x0;
	s5 =	sld [smem:$0x3FB1]  }
0x2b: {  	s6 =	sld [smem:$0x3FB2]  }
0x2c: {  	s7 =	sld [smem:$0x3FB3]  }
0x2d: {  	s3 =	simm.s32 $0x108;
	s8 =	sld [smem:$0x3FB4]  }
0x2e: {  	s3 =	simm.s32 @!p0 $0x1082;
	s9 =	sld [smem:$0x3FB5]  }
0x2f: {  	lr =	sadd.s32 s0, s3;
	s0 =	sld [smem:$0x3FAC]  }
0x30: {  	s3 =	sld [smem:$0x3FAF]  }
0x31: {  	[smem:$0x3FB8] =	sst s10  }
0x32: {  	s10 =	sld [smem:$0x3FB6];
	_ =	sdelay $0x3  }
0x33: {  	p0 =	seq.s32 s10, $0x1;
	s10 =	sld [smem:$0x3FB8];
	_ =	sdelay $0x3  }
0x34: {  	[smem:$0x3FB8] =	sst s10  }
0x35: {  	s10 =	sld [smem:$0x3FB7];
	_ =	sdelay $0x3  }
0x36: {  	p1 =	seq.s32 s10, $0x1;
	s10 =	sld [smem:$0x3FB8];
	_ =	sdelay $0x3  }
0x37: {  	[smem:$0x3FB8] =	sst s10  }
0x38: {  	s10 =	sld [smem:$0x3FB9]  }
0x39: {  	_ = 	snop;
	(pc) =	sbr.ind lr, $3  }
0x3a: {  	_ = 	snop  }
0x3b: {  	_ = 	snop  }
0x3c: {  	p2 =	seq.s32 s10, $0x1;
	s10 =	sld [smem:$0x3FB8]  }
0x3d: {  	_ =	shalt  }
0x3e: {  	_ =	shalt  }
0x3f: {  	_ =	shalt  }
0x40: {  	_ =	shalt  }
0x41: {  	_ =	shalt  }
0x42: {  	_ =	shalt  }
0x43: {  	_ =	shalt  }
0x44: {  	_ =	shalt  }
0x45: {  	_ =	shalt  }
0x46: {  	_ =	shalt  }
0x47: {  	_ =	shalt  }
0x48: {  	_ =	shalt  }
0x49: {  	_ =	shalt  }
0x4a: {  	_ =	shalt  }
0x4b: {  	_ =	shalt  }
0x4c: {  	_ =	shalt  }
0x4d: {  	_ =	shalt  }
0x4e: {  	_ =	shalt  }
0x4f: {  	_ =	shalt  }
0x50: {  	_ =	shalt  }
0x51: {  	_ =	shalt  }
0x52: {  	_ =	shalt  }
0x53: {  	_ =	shalt  }
0x54: {  	_ =	shalt  }
0x55: {  	_ =	shalt  }
0x56: {  	_ =	shalt  }
0x57: {  	_ =	shalt  }
0x58: {  	_ =	shalt  }
0x59: {  	_ =	shalt  }
0x5a: {  	_ =	shalt  }
0x5b: {  	_ =	shalt  }
0x5c: {  	_ =	shalt  }
0x5d: {  	_ =	shalt  }
0x5e: {  	_ =	shalt  }
0x5f: {  	_ =	shalt  }
0x60: {  	_ =	shalt  }
0x61: {  	_ =	shalt  }
0x62: {  	_ =	shalt  }
0x63: {  	_ =	shalt  }
0x64: {  	_ =	shalt  }
0x65: {  	_ =	shalt  }
0x66: {  	_ =	shalt  }
0x67: {  	_ =	shalt  }
0x68: {  	_ =	shalt  }
0x69: {  	_ =	shalt  }
0x6a: {  	_ =	shalt  }
0x6b: {  	_ =	shalt  }
0x6c: {  	_ =	shalt  }
0x6d: {  	_ =	shalt  }
0x6e: {  	_ =	shalt  }
0x6f: {  	_ =	shalt  }
0x70: {  	_ =	shalt  }
0x71: {  	_ =	shalt  }
0x72: {  	_ =	shalt  }
0x73: {  	_ =	shalt  }
0x74: {  	_ =	shalt  }
0x75: {  	_ =	shalt  }
0x76: {  	_ =	shalt  }
0x77: {  	_ =	shalt  }
0x78: {  	_ =	shalt  }
0x79: {  	_ =	shalt  }
0x7a: {  	_ =	shalt  }
0x7b: {  	_ =	shalt  }
0x7c: {  	_ =	shalt  }
0x7d: {  	_ =	shalt  }
0x7e: {  	_ =	shalt  }
0x7f: {  	_ =	shalt  }
0x80: {  	_ =	shalt  }
0x81: {  	_ =	shalt  }
0x82: {  	_ =	shalt  }
0x83: {  	_ =	shalt  }
0x84: {  	_ =	shalt  }
0x85: {  	_ =	shalt  }
0x86: {  	_ =	shalt  }
0x87: {  	_ =	shalt  }
.Lfunc_end0:
.L_simem_size_0:
called_computation_lowered:
.L_overlay_start_0:
0x88: {  	s2 =	sld [smem:$0x3FD9]  }
0x89: {  	s3 =	sld [smem:$0x3FFE];
	_ =	sdelay $0x1  }
0x8a: {  	s1 =	srdreg.scid  }
0x8b: {  	s0 =	sand.u32 $0x1, s1  }
0x8c: {  	s18 =	sshll.u32 s0, $0xA;
	s2 =	sadd.s32 s3, s2  }
0x8d: {  	s2 =	sadd.s32 s2, s18  }
0x8e: {  	[smem:$0x3FC4] =	sst s2  }
0x8f: {  	_ = 	snop  }
0x90: {  	s2 =	sld [smem:$0x3FC9]  }
0x91: {  	s19 =	sld [smem:$0x3FC8]  }
0x92: {  	s4 =	sld [smem:$0x3FC7]  }
0x93: {  	s5 =	sld [smem:$0x3FC6]  }
0x94: {  	s6 =	sld [smem:$0x3FD0];
	(tm) =	ssettm $0x1  }
0x95: {  	s7 =	sld [smem:$0x3FFB];
	_ =	sdelay $0x3  }
0x96: {  	_ =	strace s7  }
0x97: {  	s7 =	sld [smem:$0x3FFC];
	_ =	sdelay $0x3  }
0x98: {  	_ =	strace s7  }
0x99: {  	s7 =	sld [smem:$0x3FFD];
	_ =	sdelay $0x3  }
0x9a: {  	_ =	strace s7  }
0x9b: {  	_ =	strace $0x8FFFFFFF  }
0x9c: {  	s20 =	sld [smem:$0x3FDB];
	_ =	sdelay $0x1  }
0x9d: {  	s8 =	simm.s32 $_scs_section_size  }
0x9e: {  	s9 =	simm.s32 $_size__tile_overlayer_lowered;
	s10 =	simm.s32 $_tile_overlayer_lowered  }
0x9f: {  	s23 =	simm.s32 $0x1BFF;
	s22 =	sshll.u32 s10, $0x1;
	s7 =	sadd.s32 s8, s20  }
0xa0: {  	s11 =	simm.s32 $0x0;
	s21 =	sshll.u32 s9, $0x1;
	s9 =	sadd.s32 s22, s7  }
0xa1: {  	[timem:s11], [sflag:s23] =	dma.local [hbm:s9], s21  }
0xa2: {  	_ =	swait.ge [sflag:s23], s21  }
0xa3: {  	s8 =	ssub.s32 $0x0, s21;
	[sflag:s23] =	ssyncset.done $0x0  }
0xa4: {  	[sflag:s23] =	ssyncadd.s32 s8;
	_ =	sdelay $0x1  }
0xa5: {  	s24 =	simm.s32 $0x1B8B  }
0xa6: {  	_ =	swait.ge [sflag:s24], $0x1  }
0xa7: {  	[sflag:s24] =	ssyncset.done $0x0  }
0xa8: {  	s25 =	simm.s32 $0x1B8E;
	[sflag:s24] =	ssyncadd.s32 $0xFFFFFFFF  }
0xa9: {  	s26 =	simm.s32 $execute0_lowered;
	[smem:$0x3FD2] =	sst s25  }
0xaa: {  	s8 =	sshll.u32 s26, $0x1;
	_ =	strace $0x80000046;
	[dreg:$0x1] =	wrdreg $0xFFFFFFFF  }
0xab: {  	s28 =	simm.s32 $_size_execute0_lowered;
	s7 =	sadd.s32 s7, s8;
	[dreg:$0x0] =	wrdreg $0x0  }
0xac: {  	s8 =	sshll.u32 s28, $0x1;
	[dreg:$0x2] =	wrdreg s7  }
0xad: {  	[dreg:$0x3] =	wrdreg s8  }
0xae: {  	[dreg:$0x4] =	wrdreg $0xC0  }
0xaf: {  	_ =	task [dreg:s11], $0x5FFFF  }
0xb0: {  	[dreg:$0x1] =	wrdreg $0xFFFFFFFF  }
0xb1: {  	[dreg:$0x0] =	wrdreg $0x60  }
0xb2: {  	[dreg:$0x2] =	wrdreg s2  }
0xb3: {  	[dreg:$0x3] =	wrdreg s19  }
0xb4: {  	[dreg:$0x4] =	wrdreg s4  }
0xb5: {  	[dreg:$0x5] =	wrdreg s5  }
0xb6: {  	[dreg:$0x6] =	wrdreg s6  }
0xb7: {  	[dreg:$0x7] =	wrdreg $0x9  }
0xb8: {  	_ =	task.clear_ibuf [dreg:s11], $0x8FFFF;
	_ =	strace $0x90000046  }
0xb9: {  	s29 =	simm.s32 $0x9;
	_ =	strace $0x80000048  }
0xba: {  	_ =	swait.ge [sflag:s29], $0x1  }
0xbb: {  	[sflag:s29] =	ssyncadd.s32 $0xFFFFFFFF  }
0xbc: {  	_ =	strace $0x90000048  }
0xbd: {  	_ =	sfence  }
0xbe: {  	s30 =	sld [smem:$0x0];
	_ =	sdelay $0x2  }
0xbf: {  	s31 =	sshll.u32 s1, $0xD;
	s1 =	sshrl.u32 s1, $0x2  }
0xc0: {  	s3 =	sand.u32 $0x4000, s31;
	s1 =	sadd.s32 s1, s30  }
0xc1: {  	s0 =	sor.u32 s3, s0;
	s1 =	sshll.u32 s1, $0x11  }
0xc2: {  	s0 =	sor.u32 s1, s0  }
0xc3: {  	s0 =	sadd.s32 $0x8F2B, s0  }
0xc4: {  	[sflag:s0] =	ssyncadd.remote.s32 $0x1  }
0xc5: {  	_ =	sfence.sel $0xFFFF  }
0xc6: {  	[dreg:$0x0] =	wrdreg $0xFFFFFFFF;
	(pc) =	sbr.abs _section_cstart, $3  }
0xc7: {  	[dreg:$0x1] =	wrdreg $0xFFFFFFFF  }
0xc8: {  	_ =	task.clear_ibuf [dreg:s11], $0x2FFFF;
	_ =	strace $0x9FFFFFFF  }
0xc9: {  	(tm) =	ssettm $0x7FFFFFFF  }
tec
execute0_lowered:
.L_overlay_start_1:
0x0: {  	(tag) =	ssettag $0x1  }
0x1: {  	s0 =	rddreg [dreg:$0x0]  }
0x2: {  	s2 =	rddreg [dreg:$0x1]  }
0x3: {  	s1 =	rddreg [dreg:$0x2]  }
0x4: {  	s3 =	rddreg [dreg:$0x3];
	s5 =	srdreg.scid  }
0x5: {  	s6 =	stileid.u32;
	s4 =	rddreg [dreg:$0x4];
	s8 =	simm.s32 $0x0  }
0x6: {  	s23 =	simm.s32 $0x28;
	s13 =	simm.s32 $0x6400;
	s10 =	simm.s32 $0xB400  }
0x7: {  	s24 =	simm.s32 $0x10400;
	s11 =	simm.s32 $0x5;
	s14 =	simm.s32 $0x2  }
0x8: {  	s15 =	simm.s32 $0x6;
	s16 =	simm.s32 $0x3;
	s17 =	simm.s32 $0x7  }
0x9: {  	s18 =	simm.s32 $0x4;
	s19 =	simm.s32 $0x8;
	s20 =	simm.s32 $0x9  }
0xa: {  	s21 =	simm.s32 $0xA;
	s22 =	simm.s32 $0xB;
	s28 =	simm.s32 $0x0  }
0xb: {  	s5 =	sand.u32 $0x1, s5;
	s6 =	sshll.u32 s6, $0x1;
	[smem:$0x7FF] =	sst s8  }
0xc: {  	s9 =	sadd.s32 $0x100, s0;
	s7 =	sor.u32 s5, s6;
	s5 =	ssub.s32 $0x2, s5  }
0xd: {  	s6 =	smul.u32 $0xA00, s7;
	s25 =	sshrl.u32 s5, $0x1;
	s7 =	sand.u32 $0xF, s7  }
0xe: {  	_ =	strace $0x80000047;
	s5 =	ssub.s32 s5, s25;
	s30 =	smul.u32 $0xD8, s7  }
0xf: {  	s31 =	smul.u32 $0xA29, s7;
	s26 =	sshrl.u32 s6, $0x3;
	s5 =	smax.u32 s5, $0x1  }
0x10: {  	v4 =	vlaneseq.u32;
	vm0 =	vmmov $0xffff;
	s25 =	simm.s32 $0x1400;
	s1 =	sadd.s32 s1, s26;
	[dreg:$0x8] =	wrdreg s5  }
0x11: {  	v2 =	vand.u32 $0x7, v4;
	v3 =	vshrl.u32 v4, $0x3;
	v4 =	vor.u32 $0x8, v4;
	s29 =	sadd.s32 s3, s26;
	s5 =	simm.s32 $0x1;
	[dreg:$0x6] =	wrdreg s1  }
0x12: {  	v3 =	vmul.u32 $0x8, v3;
	v0 =	vmov s30;
	v1 =	vmov s31;
	s26 =	simm.s32 $0xC;
	s3 =	simm.s32 $0x0;
	[dreg:$0x7] =	wrdreg s29  }
.LBB2_1:
0x13: {  	[dreg:$0x9] =	wrdreg s3  }
0x14: {  	s1 =	simm.s32 $0x0;
	s30 =	rddreg [dreg:$0x6];
	s7 =	simm.s32 $0xD  }
0x15: {  	[tilespmem:s1], [sflag:$0xD] =	stream.linear.gather [hbm4b:s30+s1], $0xA00, $0x38;
	[tilespmem:$0x1A400] =	vst v63  }
0x16: {  	_ =	swait.ge [sflag:s7], $0xA00  }
0x17: {  	[sflag:s7] =	ssyncset.done $0x0  }
0x18: {  	s8 =	simm.s32 $0xA00;
	s31 =	rddreg [dreg:$0x7];
	[sflag:s7] =	ssyncadd.s32 $0xFFFFF600  }
0x19: {  	[tilespmem:s8], [sflag:$0xD] =	stream.linear.gather [hbm4b:s31+s1], $0xA00, $0x38;
	[tilespmem:$0x1A400] =	vst v63  }
0x1a: {  	_ =	swait.ge [sflag:s7], $0xA00  }
0x1b: {  	[sflag:s7] =	ssyncset.done $0x0  }
0x1c: {  	s1 =	simm.s32 $0x0;
	[sflag:s7] =	ssyncadd.s32 $0xFFFFF600  }
0x1d: {  	s3 =	simm.s32 $0x40;
	v5 =	vld [tilespmem:s1+$0x0]  }
.LBB2_2:
0x1e: {  	p0 =	sne.s32 s3, $0x27C0;
	v6 =	vld [tilespmem:s1+$0xA00];
	_ =	sdelay $0x1  }
.Ltmp0:
0x1f: {  	(pc) =	sbr.rel @p0 .LBB2_2-.Ltmp0, $4  }
0x20: {  	_ = 	snop  }
0x21: {  	v5 =	vadd.s32 v0, v5  }
0x22: {  	s7 =	sshra.s32 s3, $0x2;
	[tilespmem:s1+$0x0] =	vst v5;
	v6 =	vadd.s32 v1, v6  }
0x23: {  	s3 =	sadd.s32 $0x40, s3;
	v5 =	vld [tilespmem:s7+$0x0];
	[tilespmem:s1+$0xA00] =	vst v6;
	s1 =	smov.u32 s7  }
0x24: {  	v6 =	vld [tilespmem:s1+$0xA00];
	_ =	sdelay $0x3  }
0x25: {  	v5 =	vadd.s32 v0, v5  }
0x26: {  	[tilespmem:s1+$0x0] =	vst v5;
	v5 =	vadd.s32 v1, v6  }
0x27: {  	s29 =	simm.s32 $0x0;
	[tilespmem:s1+$0xA00] =	vst v5  }
.LBB2_4:
0x28: {  	s3 =	smul.u32 $0xA0, s29;
	_ =	sdelay $0x1  }
0x29: {  	v5 =	vld [tilespmem:s3+$0x0];
	_ =	sdelay $0x4  }
0x2a: {  	v6 =	vshll.u32 v5, $0x2  }
0x2b: {  	v5 =	vand.u32 $0x7, v5;
	v6 =	vand.u32 $0xFFFFFFE0, v6  }
0x2c: {  	v5 =	vor.u32 v5, v6  }
0x2d: {  	v6 =	vperm.xlane v5, v2;
	_ =	sdelay $0x1  }
0x2e: {  	v6 =	vadd.s32 v3, v6;
	_ =	sdelay $0x1  }
0x2f: {  	v5 =	vperm.xlane v5, v4;
	_ =	sdelay $0x1  }
0x30: {  	v5 =	vadd.s32 v3, v5  }
0x31: {  	[tilespmem:s25], [sflag:$0x1] =	stream.indirect_vreg.gather [hbm4b:s0+s28], $0x80, v6, vm0, $0xb8;
	[tilespmem:$0x1A400] =	vst v63  }
0x32: {  	s1 =	simm.s32 $0x1C00  }
0x33: {  	[tilespmem:s1], [sflag:$0x1] =	stream.indirect_vreg.gather [hbm4b:s9+s28], $0x80, v6, vm0, $0xb8;
	[tilespmem:$0x1A400] =	vst v63  }
0x34: {  	s12 =	simm.s32 $0x2400  }
0x35: {  	[tilespmem:s12], [sflag:$0x1] =	stream.indirect_vreg.gather [hbm4b:s0+s28], $0x80, v5, vm0, $0xb8;
	[tilespmem:$0x1A400] =	vst v63  }
0x36: {  	s25 =	simm.s32 $0x2C00  }
0x37: {  	[tilespmem:s25], [sflag:$0x1] =	stream.indirect_vreg.gather [hbm4b:s9+s28], $0x80, v5, vm0, $0xb8;
	[tilespmem:$0x1A400] =	vst v63  }
0x38: {  	v5 =	vld [tilespmem:s3+$0x10];
	_ =	sdelay $0x4  }
0x39: {  	v6 =	vshll.u32 v5, $0x2  }
0x3a: {  	v5 =	vand.u32 $0x7, v5;
	v6 =	vand.u32 $0xFFFFFFE0, v6  }
0x3b: {  	v5 =	vor.u32 v5, v6  }
0x3c: {  	v6 =	vperm.xlane v5, v2;
	_ =	sdelay $0x1  }
0x3d: {  	v6 =	vadd.s32 v3, v6;
	_ =	sdelay $0x1  }
0x3e: {  	v5 =	vperm.xlane v5, v4;
	_ =	sdelay $0x1  }
0x3f: {  	s7 =	simm.s32 $0x3400;
	v5 =	vadd.s32 v3, v5  }
0x40: {  	[tilespmem:s7], [sflag:$0x1] =	stream.indirect_vreg.gather [hbm4b:s0+s28], $0x80, v6, vm0, $0xb8;
	[tilespmem:$0x1A400] =	vst v63  }
0x41: {  	s8 =	simm.s32 $0x3C00  }
0x42: {  	[tilespmem:s8], [sflag:$0x1] =	stream.indirect_vreg.gather [hbm4b:s9+s28], $0x80, v6, vm0, $0xb8;
	[tilespmem:$0x1A400] =	vst v63  }
0x43: {  	s12 =	simm.s32 $0x4400  }
0x44: {  	[tilespmem:s12], [sflag:$0x1] =	stream.indirect_vreg.gather [hbm4b:s0+s28], $0x80, v5, vm0, $0xb8;
	[tilespmem:$0x1A400] =	vst v63  }
0x45: {  	s25 =	simm.s32 $0x4C00  }
0x46: {  	[tilespmem:s25], [sflag:$0x1] =	stream.indirect_vreg.gather [hbm4b:s9+s28], $0x80, v5, vm0, $0xb8;
	[tilespmem:$0x1A400] =	vst v63  }
0x47: {  	v5 =	vld.msk [tilespmem:s3+$0x20], $0xff;
	_ =	sdelay $0x4  }
0x48: {  	v6 =	vshll.u32 v5, $0x2  }
0x49: {  	v5 =	vand.u32 $0x7, v5;
	v6 =	vand.u32 $0xFFFFFFE0, v6  }
0x4a: {  	v5 =	vor.u32 v5, v6  }
0x4b: {  	v5 =	vperm.xlane v5, v2;
	_ =	sdelay $0x1  }
0x4c: {  	v5 =	vadd.s32 v3, v5;
	_ =	sdelay $0x3  }
0x4d: {  	s7 =	simm.s32 $0x5400  }
0x4e: {  	[tilespmem:s7], [sflag:$0x1] =	stream.indirect_vreg.gather [hbm4b:s0+s28], $0x80, v5, vm0, $0xb8;
	[tilespmem:$0x1A400] =	vst v63  }
0x4f: {  	s8 =	simm.s32 $0x5C00  }
0x50: {  	[tilespmem:s8], [sflag:$0x1] =	stream.indirect_vreg.gather [hbm4b:s9+s28], $0x80, v5, vm0, $0xb8;
	[tilespmem:$0x1A400] =	vst v63  }
0x51: {  	s12 =	sadd.s32 $0xA00, s3;
	s7 =	simm.s32 $0x15400  }
0x52: {  	[tilespmem:s7], [sflag:$0x5] =	stream.indirect.gather [hbm4b:s2+s23], $0x80, s12, s23, $0xb8;
	[tilespmem:$0x1A400] =	vst v63  }
0x53: {  	v5 =	vld [tilespmem:s3+$0x28];
	_ =	sdelay $0x4  }
0x54: {  	v6 =	vshll.u32 v5, $0x2  }
0x55: {  	v5 =	vand.u32 $0x7, v5;
	v6 =	vand.u32 $0xFFFFFFE0, v6  }
0x56: {  	v5 =	vor.u32 v5, v6  }
0x57: {  	v6 =	vperm.xlane v5, v2;
	_ =	sdelay $0x1  }
0x58: {  	v6 =	vadd.s32 v3, v6;
	_ =	sdelay $0x1  }
0x59: {  	v5 =	vperm.xlane v5, v4;
	_ =	sdelay $0x1  }
0x5a: {  	v5 =	vadd.s32 v3, v5  }
0x5b: {  	[tilespmem:s13], [sflag:$0x2] =	stream.indirect_vreg.gather [hbm4b:s0+s28], $0x80, v6, vm0, $0xb8;
	[tilespmem:$0x1A400] =	vst v63  }
0x5c: {  	s25 =	simm.s32 $0x6C00  }
0x5d: {  	[tilespmem:s25], [sflag:$0x2] =	stream.indirect_vreg.gather [hbm4b:s9+s28], $0x80, v6, vm0, $0xb8;
	[tilespmem:$0x1A400] =	vst v63  }
0x5e: {  	s7 =	simm.s32 $0x7400  }
0x5f: {  	[tilespmem:s7], [sflag:$0x2] =	stream.indirect_vreg.gather [hbm4b:s0+s28], $0x80, v5, vm0, $0xb8;
	[tilespmem:$0x1A400] =	vst v63  }
0x60: {  	s8 =	simm.s32 $0x7C00  }
0x61: {  	[tilespmem:s8], [sflag:$0x2] =	stream.indirect_vreg.gather [hbm4b:s9+s28], $0x80, v5, vm0, $0xb8;
	[tilespmem:$0x1A400] =	vst v63  }
0x62: {  	v5 =	vld [tilespmem:s3+$0x38];
	_ =	sdelay $0x4  }
0x63: {  	v6 =	vshll.u32 v5, $0x2  }
0x64: {  	v5 =	vand.u32 $0x7, v5;
	v6 =	vand.u32 $0xFFFFFFE0, v6  }
0x65: {  	v5 =	vor.u32 v5, v6  }
0x66: {  	v6 =	vperm.xlane v5, v2;
	_ =	sdelay $0x1  }
0x67: {  	v6 =	vadd.s32 v3, v6;
	_ =	sdelay $0x1  }
0x68: {  	v5 =	vperm.xlane v5, v4;
	_ =	sdelay $0x1  }
0x69: {  	s12 =	simm.s32 $0x8400;
	v5 =	vadd.s32 v3, v5  }
0x6a: {  	[tilespmem:s12], [sflag:$0x2] =	stream.indirect_vreg.gather [hbm4b:s0+s28], $0x80, v6, vm0, $0xb8;
	[tilespmem:$0x1A400] =	vst v63  }
0x6b: {  	s13 =	simm.s32 $0x8C00  }
0x6c: {  	[tilespmem:s13], [sflag:$0x2] =	stream.indirect_vreg.gather [hbm4b:s9+s28], $0x80, v6, vm0, $0xb8;
	[tilespmem:$0x1A400] =	vst v63  }
0x6d: {  	s25 =	simm.s32 $0x9400  }
0x6e: {  	[tilespmem:s25], [sflag:$0x2] =	stream.indirect_vreg.gather [hbm4b:s0+s28], $0x80, v5, vm0, $0xb8;
	[tilespmem:$0x1A400] =	vst v63  }
0x6f: {  	s7 =	simm.s32 $0x9C00  }
0x70: {  	[tilespmem:s7], [sflag:$0x2] =	stream.indirect_vreg.gather [hbm4b:s9+s28], $0x80, v5, vm0, $0xb8;
	[tilespmem:$0x1A400] =	vst v63  }
0x71: {  	v5 =	vld.msk [tilespmem:s3+$0x48], $0xff;
	_ =	sdelay $0x4  }
0x72: {  	v6 =	vshll.u32 v5, $0x2  }
0x73: {  	v5 =	vand.u32 $0x7, v5;
	v6 =	vand.u32 $0xFFFFFFE0, v6  }
0x74: {  	v5 =	vor.u32 v5, v6  }
0x75: {  	v5 =	vperm.xlane v5, v2;
	_ =	sdelay $0x1  }
0x76: {  	v5 =	vadd.s32 v3, v5;
	_ =	sdelay $0x3  }
0x77: {  	s8 =	simm.s32 $0xA400  }
0x78: {  	[tilespmem:s8], [sflag:$0x2] =	stream.indirect_vreg.gather [hbm4b:s0+s28], $0x80, v5, vm0, $0xb8;
	[tilespmem:$0x1A400] =	vst v63  }
0x79: {  	s12 =	simm.s32 $0xAC00  }
0x7a: {  	[tilespmem:s12], [sflag:$0x2] =	stream.indirect_vreg.gather [hbm4b:s9+s28], $0x80, v5, vm0, $0xb8;
	[tilespmem:$0x1A400] =	vst v63  }
0x7b: {  	s13 =	sadd.s32 $0xA28, s3;
	s25 =	simm.s32 $0x16800  }
0x7c: {  	[tilespmem:s25], [sflag:$0x6] =	stream.indirect.gather [hbm4b:s2+s23], $0x80, s13, s23, $0xb8;
	[tilespmem:$0x1A400] =	vst v63  }
0x7d: {  	v5 =	vld [tilespmem:s3+$0x50];
	_ =	sdelay $0x4  }
0x7e: {  	v6 =	vshll.u32 v5, $0x2  }
0x7f: {  	v5 =	vand.u32 $0x7, v5;
	v6 =	vand.u32 $0xFFFFFFE0, v6  }
0x80: {  	v5 =	vor.u32 v5, v6  }
0x81: {  	v6 =	vperm.xlane v5, v2;
	_ =	sdelay $0x1  }
0x82: {  	v6 =	vadd.s32 v3, v6;
	_ =	sdelay $0x1  }
0x83: {  	v5 =	vperm.xlane v5, v4;
	_ =	sdelay $0x1  }
0x84: {  	v5 =	vadd.s32 v3, v5  }
0x85: {  	[tilespmem:s10], [sflag:$0x3] =	stream.indirect_vreg.gather [hbm4b:s0+s28], $0x80, v6, vm0, $0xb8;
	[tilespmem:$0x1A400] =	vst v63  }
0x86: {  	s8 =	simm.s32 $0xBC00  }
0x87: {  	[tilespmem:s8], [sflag:$0x3] =	stream.indirect_vreg.gather [hbm4b:s9+s28], $0x80, v6, vm0, $0xb8;
	[tilespmem:$0x1A400] =	vst v63  }
0x88: {  	s12 =	simm.s32 $0xC400  }
0x89: {  	[tilespmem:s12], [sflag:$0x3] =	stream.indirect_vreg.gather [hbm4b:s0+s28], $0x80, v5, vm0, $0xb8;
	[tilespmem:$0x1A400] =	vst v63  }
0x8a: {  	s13 =	simm.s32 $0xCC00  }
0x8b: {  	[tilespmem:s13], [sflag:$0x3] =	stream.indirect_vreg.gather [hbm4b:s9+s28], $0x80, v5, vm0, $0xb8;
	[tilespmem:$0x1A400] =	vst v63  }
0x8c: {  	v5 =	vld [tilespmem:s3+$0x60];
	_ =	sdelay $0x4  }
0x8d: {  	v6 =	vshll.u32 v5, $0x2  }
0x8e: {  	v5 =	vand.u32 $0x7, v5;
	v6 =	vand.u32 $0xFFFFFFE0, v6  }
0x8f: {  	v5 =	vor.u32 v5, v6  }
0x90: {  	v6 =	vperm.xlane v5, v2;
	_ =	sdelay $0x1  }
0x91: {  	v6 =	vadd.s32 v3, v6;
	_ =	sdelay $0x1  }
0x92: {  	v5 =	vperm.xlane v5, v4;
	_ =	sdelay $0x1  }
0x93: {  	s25 =	simm.s32 $0xD400;
	v5 =	vadd.s32 v3, v5  }
0x94: {  	[tilespmem:s25], [sflag:$0x3] =	stream.indirect_vreg.gather [hbm4b:s0+s28], $0x80, v6, vm0, $0xb8;
	[tilespmem:$0x1A400] =	vst v63  }
0x95: {  	s7 =	simm.s32 $0xDC00  }
0x96: {  	[tilespmem:s7], [sflag:$0x3] =	stream.indirect_vreg.gather [hbm4b:s9+s28], $0x80, v6, vm0, $0xb8;
	[tilespmem:$0x1A400] =	vst v63  }
0x97: {  	s8 =	simm.s32 $0xE400  }
0x98: {  	[tilespmem:s8], [sflag:$0x3] =	stream.indirect_vreg.gather [hbm4b:s0+s28], $0x80, v5, vm0, $0xb8;
	[tilespmem:$0x1A400] =	vst v63  }
0x99: {  	s12 =	simm.s32 $0xEC00  }
0x9a: {  	[tilespmem:s12], [sflag:$0x3] =	stream.indirect_vreg.gather [hbm4b:s9+s28], $0x80, v5, vm0, $0xb8;
	[tilespmem:$0x1A400] =	vst v63  }
0x9b: {  	v5 =	vld.msk [tilespmem:s3+$0x70], $0xff;
	_ =	sdelay $0x4  }
0x9c: {  	v6 =	vshll.u32 v5, $0x2  }
0x9d: {  	v5 =	vand.u32 $0x7, v5;
	v6 =	vand.u32 $0xFFFFFFE0, v6  }
0x9e: {  	v5 =	vor.u32 v5, v6  }
0x9f: {  	v5 =	vperm.xlane v5, v2;
	_ =	sdelay $0x1  }
0xa0: {  	v5 =	vadd.s32 v3, v5;
	_ =	sdelay $0x3  }
0xa1: {  	s13 =	simm.s32 $0xF400  }
0xa2: {  	[tilespmem:s13], [sflag:$0x3] =	stream.indirect_vreg.gather [hbm4b:s0+s28], $0x80, v5, vm0, $0xb8;
	[tilespmem:$0x1A400] =	vst v63  }
0xa3: {  	s25 =	simm.s32 $0xFC00  }
0xa4: {  	[tilespmem:s25], [sflag:$0x3] =	stream.indirect_vreg.gather [hbm4b:s9+s28], $0x80, v5, vm0, $0xb8;
	[tilespmem:$0x1A400] =	vst v63  }
0xa5: {  	s7 =	sadd.s32 $0xA50, s3;
	s8 =	simm.s32 $0x17C00  }
0xa6: {  	[tilespmem:s8], [sflag:$0x7] =	stream.indirect.gather [hbm4b:s2+s23], $0x80, s7, s23, $0xb8;
	[tilespmem:$0x1A400] =	vst v63  }
0xa7: {  	v5 =	vld [tilespmem:s3+$0x78];
	_ =	sdelay $0x4  }
0xa8: {  	v6 =	vshll.u32 v5, $0x2  }
0xa9: {  	v5 =	vand.u32 $0x7, v5;
	v6 =	vand.u32 $0xFFFFFFE0, v6  }
0xaa: {  	v5 =	vor.u32 v5, v6  }
0xab: {  	v6 =	vperm.xlane v5, v2;
	_ =	sdelay $0x1  }
0xac: {  	v6 =	vadd.s32 v3, v6;
	_ =	sdelay $0x1  }
0xad: {  	v5 =	vperm.xlane v5, v4;
	_ =	sdelay $0x1  }
0xae: {  	v5 =	vadd.s32 v3, v5  }
0xaf: {  	[tilespmem:s24], [sflag:$0x4] =	stream.indirect_vreg.gather [hbm4b:s0+s28], $0x80, v6, vm0, $0xb8;
	[tilespmem:$0x1A400] =	vst v63  }
0xb0: {  	s12 =	simm.s32 $0x10C00  }
0xb1: {  	[tilespmem:s12], [sflag:$0x4] =	stream.indirect_vreg.gather [hbm4b:s9+s28], $0x80, v6, vm0, $0xb8;
	[tilespmem:$0x1A400] =	vst v63  }
0xb2: {  	s13 =	simm.s32 $0x11400  }
0xb3: {  	[tilespmem:s13], [sflag:$0x4] =	stream.indirect_vreg.gather [hbm4b:s0+s28], $0x80, v5, vm0, $0xb8;
	[tilespmem:$0x1A400] =	vst v63  }
0xb4: {  	s25 =	simm.s32 $0x11C00  }
0xb5: {  	[tilespmem:s25], [sflag:$0x4] =	stream.indirect_vreg.gather [hbm4b:s9+s28], $0x80, v5, vm0, $0xb8;
	[tilespmem:$0x1A400] =	vst v63  }
0xb6: {  	v5 =	vld [tilespmem:s3+$0x88];
	_ =	sdelay $0x4  }
0xb7: {  	v6 =	vshll.u32 v5, $0x2  }
0xb8: {  	v5 =	vand.u32 $0x7, v5;
	v6 =	vand.u32 $0xFFFFFFE0, v6  }
0xb9: {  	v5 =	vor.u32 v5, v6  }
0xba: {  	v6 =	vperm.xlane v5, v2;
	_ =	sdelay $0x1  }
0xbb: {  	v6 =	vadd.s32 v3, v6;
	_ =	sdelay $0x1  }
0xbc: {  	v5 =	vperm.xlane v5, v4;
	_ =	sdelay $0x1  }
0xbd: {  	s7 =	simm.s32 $0x12400;
	v5 =	vadd.s32 v3, v5  }
0xbe: {  	[tilespmem:s7], [sflag:$0x4] =	stream.indirect_vreg.gather [hbm4b:s0+s28], $0x80, v6, vm0, $0xb8;
	[tilespmem:$0x1A400] =	vst v63  }
0xbf: {  	s8 =	simm.s32 $0x12C00  }
0xc0: {  	[tilespmem:s8], [sflag:$0x4] =	stream.indirect_vreg.gather [hbm4b:s9+s28], $0x80, v6, vm0, $0xb8;
	[tilespmem:$0x1A400] =	vst v63  }
0xc1: {  	s12 =	simm.s32 $0x13400  }
0xc2: {  	[tilespmem:s12], [sflag:$0x4] =	stream.indirect_vreg.gather [hbm4b:s0+s28], $0x80, v5, vm0, $0xb8;
	[tilespmem:$0x1A400] =	vst v63  }
0xc3: {  	s13 =	simm.s32 $0x13C00  }
0xc4: {  	[tilespmem:s13], [sflag:$0x4] =	stream.indirect_vreg.gather [hbm4b:s9+s28], $0x80, v5, vm0, $0xb8;
	[tilespmem:$0x1A400] =	vst v63  }
0xc5: {  	v5 =	vld.msk [tilespmem:s3+$0x98], $0xff;
	_ =	sdelay $0x4  }
0xc6: {  	v6 =	vshll.u32 v5, $0x2  }
0xc7: {  	v5 =	vand.u32 $0x7, v5;
	v6 =	vand.u32 $0xFFFFFFE0, v6  }
0xc8: {  	v5 =	vor.u32 v5, v6  }
0xc9: {  	v5 =	vperm.xlane v5, v2;
	_ =	sdelay $0x1  }
0xca: {  	v5 =	vadd.s32 v3, v5;
	_ =	sdelay $0x3  }
0xcb: {  	s25 =	simm.s32 $0x14400  }
0xcc: {  	[tilespmem:s25], [sflag:$0x4] =	stream.indirect_vreg.gather [hbm4b:s0+s28], $0x80, v5, vm0, $0xb8;
	[tilespmem:$0x1A400] =	vst v63  }
0xcd: {  	s7 =	simm.s32 $0x14C00  }
0xce: {  	[tilespmem:s7], [sflag:$0x4] =	stream.indirect_vreg.gather [hbm4b:s9+s28], $0x80, v5, vm0, $0xb8;
	[tilespmem:$0x1A400] =	vst v63  }
0xcf: {  	s8 =	sadd.s32 $0xA78, s3;
	s12 =	simm.s32 $0x19000  }
0xd0: {  	[tilespmem:s12], [sflag:$0x8] =	stream.indirect.gather [hbm4b:s2+s23], $0x80, s8, s23, $0xb8;
	[tilespmem:$0x1A400] =	vst v63  }
0xd1: {  	_ =	swait.ge [sflag:s5], $0x5000  }
0xd2: {  	[sflag:s5] =	ssyncset.done $0x0  }
0xd3: {  	[sflag:s5] =	ssyncadd.s32 $0xFFFFB000  }
0xd4: {  	_ =	swait.ge [sflag:s11], $0x1400  }
0xd5: {  	s13 =	sand.u32 $0x7000, s28;
	s25 =	sand.u32 $0x380, s28;
	[sflag:s11] =	ssyncset.done $0x0  }
0xd6: {  	s12 =	sor.u32 s25, s13;
	[sflag:s11] =	ssyncadd.s32 $0xFFFFEC00  }
0xd7: {  	s8 =	simm.s32 $0x0;
	v5 =	vld [tilespmem:s12+$0x2040]  }
0xd8: {  	v6 =	vld [tilespmem:s8+$0x15440];
	_ =	sdelay $0x4  }
0xd9: {  	v5 =	vadd.f32 v6, v5;
	_ =	sdelay $0x1  }
0xda: {  	[tilespmem:s12+$0x2040] =	vst v5  }
0xdb: {  	v5 =	vld [tilespmem:s8+$0x15450];
	_ =	sdelay $0x4  }
0xdc: {  	[tilespmem:s12+$0x2050] =	vst v5  }
0xdd: {  	v5 =	vld [tilespmem:s8+$0x15460];
	_ =	sdelay $0x4  }
0xde: {  	[tilespmem:s12+$0x2060] =	vst v5  }
0xdf: {  	v5 =	vld [tilespmem:s8+$0x15470];
	_ =	sdelay $0x1  }
0xe0: {  	s31 =	sadd.s32 $0x50, s3;
	s7 =	simm.s32 $0x200;
	s13 =	simm.s32 $0x80  }
0xe1: {  	s30 =	sadd.s32 $0x78, s3;
	s25 =	sand.u32 $0x7000, s7;
	s13 =	sand.u32 $0x380, s13  }
0xe2: {  	s1 =	sadd.s32 $0x28, s3;
	s13 =	sor.u32 s13, s25;
	s8 =	simm.s32 $0x100  }
.LBB2_5:
0xe3: {  	p0 =	sne.s32 s8, $0x1380;
	v6 =	vld [tilespmem:s13+$0x2040];
	s25 =	sshra.s32 s7, $0x2;
	[tilespmem:s12+$0x2070] =	vst v5;
	s12 =	smov.u32 s13  }
0xe4: {  	v5 =	vld [tilespmem:s25+$0x15440];
	_ =	sdelay $0x4  }
0xe5: {  	v5 =	vadd.f32 v5, v6;
	_ =	sdelay $0x1  }
0xe6: {  	[tilespmem:s12+$0x2040] =	vst v5  }
0xe7: {  	v5 =	vld [tilespmem:s25+$0x15450];
	_ =	sdelay $0x4  }
0xe8: {  	[tilespmem:s12+$0x2050] =	vst v5  }
0xe9: {  	v5 =	vld [tilespmem:s25+$0x15460];
	_ =	sdelay $0x4  }
0xea: {  	[tilespmem:s12+$0x2060] =	vst v5  }
.Ltmp1:
0xeb: {  	v5 =	vld [tilespmem:s25+$0x15470];
	(pc) =	sbr.rel @p0 .LBB2_5-.Ltmp1, $4  }
0xec: {  	_ = 	snop  }
0xed: {  	s7 =	sadd.s32 $0x200, s7  }
0xee: {  	s13 =	sand.u32 $0x7000, s7;
	s25 =	sand.u32 $0x380, s8  }
0xef: {  	s8 =	sadd.s32 $0x80, s8;
	s13 =	sor.u32 s25, s13  }
0xf0: {  	v6 =	vld [tilespmem:s13+$0x2040];
	s7 =	sshra.s32 s7, $0x2;
	[tilespmem:s12+$0x2070] =	vst v5  }
0xf1: {  	v5 =	vld [tilespmem:s7+$0x15440];
	_ =	sdelay $0x4  }
0xf2: {  	v5 =	vadd.f32 v5, v6;
	_ =	sdelay $0x1  }
0xf3: {  	[tilespmem:s13+$0x2040] =	vst v5  }
0xf4: {  	v5 =	vld [tilespmem:s7+$0x15450];
	_ =	sdelay $0x4  }
0xf5: {  	[tilespmem:s13+$0x2050] =	vst v5  }
0xf6: {  	v5 =	vld [tilespmem:s7+$0x15460];
	_ =	sdelay $0x4  }
0xf7: {  	[tilespmem:s13+$0x2060] =	vst v5  }
0xf8: {  	v5 =	vld [tilespmem:s7+$0x15470];
	_ =	sdelay $0x2  }
0xf9: {  	s3 =	sadd.s32 s6, s3  }
0xfa: {  	s3 =	sshll.u32 s3, $0x6  }
0xfb: {  	s12 =	simm.s32 $0x0;
	s25 =	simm.s32 $0x1400;
	s3 =	sadd.s32 s4, s3;
	[tilespmem:s13+$0x2070] =	vst v5  }
0xfc: {  	[hbm4b:s3+s12] =	stream.linear.scatter [tilespmem:s25], [sflag:$0x9], $0x5000, $0x38;
	[tilespmem:$0x1A400] =	vst v63  }
0xfd: {  	_ =	swait.ge [sflag:s14], $0x5000  }
0xfe: {  	[sflag:s14] =	ssyncset.done $0x0  }
0xff: {  	[sflag:s14] =	ssyncadd.s32 $0xFFFFB000  }
0x100: {  	_ =	swait.ge [sflag:s15], $0x1400  }
0x101: {  	s7 =	sand.u32 $0x380, s12;
	s13 =	sand.u32 $0x7000, s12;
	[sflag:s15] =	ssyncset.done $0x0  }
0x102: {  	s3 =	sor.u32 s7, s13;
	[sflag:s15] =	ssyncadd.s32 $0xFFFFEC00  }
0x103: {  	s8 =	simm.s32 $0x0;
	v5 =	vld [tilespmem:s3+$0x7040]  }
0x104: {  	v6 =	vld [tilespmem:s8+$0x16840];
	_ =	sdelay $0x4  }
0x105: {  	v5 =	vadd.f32 v6, v5;
	_ =	sdelay $0x1  }
0x106: {  	[tilespmem:s3+$0x7040] =	vst v5  }
0x107: {  	v5 =	vld [tilespmem:s8+$0x16850];
	_ =	sdelay $0x4  }
0x108: {  	[tilespmem:s3+$0x7050] =	vst v5  }
0x109: {  	v5 =	vld [tilespmem:s8+$0x16860];
	_ =	sdelay $0x4  }
0x10a: {  	[tilespmem:s3+$0x7060] =	vst v5  }
0x10b: {  	v5 =	vld [tilespmem:s8+$0x16870];
	_ =	sdelay $0x1  }
0x10c: {  	s12 =	simm.s32 $0x80;
	s7 =	simm.s32 $0x200  }
0x10d: {  	s13 =	sand.u32 $0x7000, s7;
	s12 =	sand.u32 $0x380, s12  }
0x10e: {  	s12 =	sor.u32 s12, s13;
	s8 =	simm.s32 $0x100  }
.LBB2_7:
0x10f: {  	p0 =	sne.s32 s8, $0x1380;
	v6 =	vld [tilespmem:s12+$0x7040];
	s13 =	sshra.s32 s7, $0x2;
	[tilespmem:s3+$0x7070] =	vst v5;
	s3 =	smov.u32 s12  }
0x110: {  	v5 =	vld [tilespmem:s13+$0x16840];
	_ =	sdelay $0x4  }
0x111: {  	v5 =	vadd.f32 v5, v6;
	_ =	sdelay $0x1  }
0x112: {  	[tilespmem:s3+$0x7040] =	vst v5  }
0x113: {  	v5 =	vld [tilespmem:s13+$0x16850];
	_ =	sdelay $0x4  }
0x114: {  	[tilespmem:s3+$0x7050] =	vst v5  }
0x115: {  	v5 =	vld [tilespmem:s13+$0x16860];
	_ =	sdelay $0x4  }
0x116: {  	[tilespmem:s3+$0x7060] =	vst v5  }
.Ltmp2:
0x117: {  	v5 =	vld [tilespmem:s13+$0x16870];
	(pc) =	sbr.rel @p0 .LBB2_7-.Ltmp2, $4  }
0x118: {  	_ = 	snop  }
0x119: {  	s7 =	sadd.s32 $0x200, s7  }
0x11a: {  	s12 =	sand.u32 $0x7000, s7;
	s13 =	sand.u32 $0x380, s8  }
0x11b: {  	s8 =	sadd.s32 $0x80, s8;
	s12 =	sor.u32 s13, s12  }
0x11c: {  	v6 =	vld [tilespmem:s12+$0x7040];
	s7 =	sshra.s32 s7, $0x2;
	[tilespmem:s3+$0x7070] =	vst v5  }
0x11d: {  	v5 =	vld [tilespmem:s7+$0x16840];
	_ =	sdelay $0x4  }
0x11e: {  	v5 =	vadd.f32 v5, v6;
	_ =	sdelay $0x1  }
0x11f: {  	[tilespmem:s12+$0x7040] =	vst v5  }
0x120: {  	v5 =	vld [tilespmem:s7+$0x16850];
	_ =	sdelay $0x4  }
0x121: {  	[tilespmem:s12+$0x7050] =	vst v5  }
0x122: {  	v5 =	vld [tilespmem:s7+$0x16860];
	_ =	sdelay $0x4  }
0x123: {  	[tilespmem:s12+$0x7060] =	vst v5  }
0x124: {  	v5 =	vld [tilespmem:s7+$0x16870];
	_ =	sdelay $0x2  }
0x125: {  	s1 =	sadd.s32 s6, s1  }
0x126: {  	s1 =	sshll.u32 s1, $0x6  }
0x127: {  	s8 =	simm.s32 $0x0;
	s13 =	simm.s32 $0x6400;
	s1 =	sadd.s32 s4, s1;
	[tilespmem:s12+$0x7070] =	vst v5  }
0x128: {  	[hbm4b:s1+s8] =	stream.linear.scatter [tilespmem:s13], [sflag:$0xA], $0x5000, $0x38;
	[tilespmem:$0x1A400] =	vst v63  }
0x129: {  	_ =	swait.ge [sflag:s16], $0x5000  }
0x12a: {  	[sflag:s16] =	ssyncset.done $0x0  }
0x12b: {  	[sflag:s16] =	ssyncadd.s32 $0xFFFFB000  }
0x12c: {  	_ =	swait.ge [sflag:s17], $0x1400  }
0x12d: {  	s3 =	sand.u32 $0x380, s8;
	s12 =	sand.u32 $0x7000, s8;
	[sflag:s17] =	ssyncset.done $0x0  }
0x12e: {  	s1 =	sor.u32 s3, s12;
	[sflag:s17] =	ssyncadd.s32 $0xFFFFEC00  }
0x12f: {  	s7 =	simm.s32 $0x0;
	v5 =	vld [tilespmem:s1+$0xC040]  }
0x130: {  	v6 =	vld [tilespmem:s7+$0x17C40];
	_ =	sdelay $0x4  }
0x131: {  	v5 =	vadd.f32 v6, v5;
	_ =	sdelay $0x1  }
0x132: {  	[tilespmem:s1+$0xC040] =	vst v5  }
0x133: {  	v5 =	vld [tilespmem:s7+$0x17C50];
	_ =	sdelay $0x4  }
0x134: {  	[tilespmem:s1+$0xC050] =	vst v5  }
0x135: {  	v5 =	vld [tilespmem:s7+$0x17C60];
	_ =	sdelay $0x4  }
0x136: {  	[tilespmem:s1+$0xC060] =	vst v5  }
0x137: {  	v5 =	vld [tilespmem:s7+$0x17C70];
	_ =	sdelay $0x1  }
0x138: {  	s8 =	simm.s32 $0x80;
	s3 =	simm.s32 $0x200  }
0x139: {  	s12 =	sand.u32 $0x7000, s3;
	s8 =	sand.u32 $0x380, s8  }
0x13a: {  	s8 =	sor.u32 s8, s12;
	s7 =	simm.s32 $0x100  }
.LBB2_9:
0x13b: {  	p0 =	sne.s32 s7, $0x1380;
	v6 =	vld [tilespmem:s8+$0xC040];
	s12 =	sshra.s32 s3, $0x2;
	[tilespmem:s1+$0xC070] =	vst v5;
	s1 =	smov.u32 s8  }
0x13c: {  	v5 =	vld [tilespmem:s12+$0x17C40];
	_ =	sdelay $0x4  }
0x13d: {  	v5 =	vadd.f32 v5, v6;
	_ =	sdelay $0x1  }
0x13e: {  	[tilespmem:s1+$0xC040] =	vst v5  }
0x13f: {  	v5 =	vld [tilespmem:s12+$0x17C50];
	_ =	sdelay $0x4  }
0x140: {  	[tilespmem:s1+$0xC050] =	vst v5  }
0x141: {  	v5 =	vld [tilespmem:s12+$0x17C60];
	_ =	sdelay $0x4  }
0x142: {  	[tilespmem:s1+$0xC060] =	vst v5  }
.Ltmp3:
0x143: {  	v5 =	vld [tilespmem:s12+$0x17C70];
	(pc) =	sbr.rel @p0 .LBB2_9-.Ltmp3, $4  }
0x144: {  	_ = 	snop  }
0x145: {  	s3 =	sadd.s32 $0x200, s3  }
0x146: {  	s8 =	sand.u32 $0x7000, s3;
	s12 =	sand.u32 $0x380, s7  }
0x147: {  	s7 =	sadd.s32 $0x80, s7;
	s8 =	sor.u32 s12, s8  }
0x148: {  	v6 =	vld [tilespmem:s8+$0xC040];
	s3 =	sshra.s32 s3, $0x2;
	[tilespmem:s1+$0xC070] =	vst v5  }
0x149: {  	v5 =	vld [tilespmem:s3+$0x17C40];
	_ =	sdelay $0x4  }
0x14a: {  	v5 =	vadd.f32 v5, v6;
	_ =	sdelay $0x1  }
0x14b: {  	[tilespmem:s8+$0xC040] =	vst v5  }
0x14c: {  	v5 =	vld [tilespmem:s3+$0x17C50];
	_ =	sdelay $0x4  }
0x14d: {  	[tilespmem:s8+$0xC050] =	vst v5  }
0x14e: {  	v5 =	vld [tilespmem:s3+$0x17C60];
	_ =	sdelay $0x4  }
0x14f: {  	[tilespmem:s8+$0xC060] =	vst v5  }
0x150: {  	v5 =	vld [tilespmem:s3+$0x17C70];
	_ =	sdelay $0x2  }
0x151: {  	s7 =	sadd.s32 s6, s31  }
0x152: {  	s1 =	sshll.u32 s7, $0x6  }
0x153: {  	s1 =	sadd.s32 s4, s1;
	[tilespmem:s8+$0xC070] =	vst v5;
	s8 =	simm.s32 $0x0  }
0x154: {  	[hbm4b:s1+s8] =	stream.linear.scatter [tilespmem:s10], [sflag:$0xB], $0x5000, $0x38;
	[tilespmem:$0x1A400] =	vst v63  }
0x155: {  	_ =	swait.ge [sflag:s18], $0x5000  }
0x156: {  	[sflag:s18] =	ssyncset.done $0x0  }
0x157: {  	[sflag:s18] =	ssyncadd.s32 $0xFFFFB000  }
0x158: {  	_ =	swait.ge [sflag:s19], $0x1400  }
0x159: {  	s12 =	sand.u32 $0x7000, s8;
	s3 =	sand.u32 $0x380, s8;
	[sflag:s19] =	ssyncset.done $0x0  }
0x15a: {  	s1 =	sor.u32 s3, s12;
	[sflag:s19] =	ssyncadd.s32 $0xFFFFEC00  }
0x15b: {  	s7 =	simm.s32 $0x0;
	v5 =	vld [tilespmem:s1+$0x11040]  }
0x15c: {  	v6 =	vld [tilespmem:s7+$0x19040];
	_ =	sdelay $0x4  }
0x15d: {  	v5 =	vadd.f32 v6, v5;
	_ =	sdelay $0x1  }
0x15e: {  	[tilespmem:s1+$0x11040] =	vst v5  }
0x15f: {  	v5 =	vld [tilespmem:s7+$0x19050];
	_ =	sdelay $0x4  }
0x160: {  	[tilespmem:s1+$0x11050] =	vst v5  }
0x161: {  	v5 =	vld [tilespmem:s7+$0x19060];
	_ =	sdelay $0x4  }
0x162: {  	[tilespmem:s1+$0x11060] =	vst v5  }
0x163: {  	v5 =	vld [tilespmem:s7+$0x19070];
	_ =	sdelay $0x1  }
0x164: {  	s31 =	simm.s32 $0x80;
	s3 =	simm.s32 $0x200  }
0x165: {  	s8 =	sand.u32 $0x380, s31;
	s12 =	sand.u32 $0x7000, s3  }
0x166: {  	s8 =	sor.u32 s8, s12;
	s7 =	simm.s32 $0x100  }
.LBB2_11:
0x167: {  	p0 =	sne.s32 s7, $0x1380;
	v6 =	vld [tilespmem:s8+$0x11040];
	s12 =	sshra.s32 s3, $0x2;
	[tilespmem:s1+$0x11070] =	vst v5;
	s1 =	smov.u32 s8  }
0x168: {  	v5 =	vld [tilespmem:s12+$0x19040];
	_ =	sdelay $0x4  }
0x169: {  	v5 =	vadd.f32 v5, v6;
	_ =	sdelay $0x1  }
0x16a: {  	[tilespmem:s1+$0x11040] =	vst v5  }
0x16b: {  	v5 =	vld [tilespmem:s12+$0x19050];
	_ =	sdelay $0x4  }
0x16c: {  	[tilespmem:s1+$0x11050] =	vst v5  }
0x16d: {  	v5 =	vld [tilespmem:s12+$0x19060];
	_ =	sdelay $0x4  }
0x16e: {  	[tilespmem:s1+$0x11060] =	vst v5  }
.Ltmp4:
0x16f: {  	v5 =	vld [tilespmem:s12+$0x19070];
	(pc) =	sbr.rel @p0 .LBB2_11-.Ltmp4, $4  }
0x170: {  	_ = 	snop  }
0x171: {  	s3 =	sadd.s32 $0x200, s3  }
0x172: {  	s8 =	sand.u32 $0x7000, s3;
	s12 =	sand.u32 $0x380, s7  }
0x173: {  	s7 =	sadd.s32 $0x80, s7;
	s8 =	sor.u32 s12, s8  }
0x174: {  	v6 =	vld [tilespmem:s8+$0x11040];
	s3 =	sshra.s32 s3, $0x2;
	[tilespmem:s1+$0x11070] =	vst v5  }
0x175: {  	v5 =	vld [tilespmem:s3+$0x19040];
	_ =	sdelay $0x4  }
0x176: {  	v5 =	vadd.f32 v5, v6;
	_ =	sdelay $0x1  }
0x177: {  	[tilespmem:s8+$0x11040] =	vst v5  }
0x178: {  	v5 =	vld [tilespmem:s3+$0x19050];
	_ =	sdelay $0x4  }
0x179: {  	[tilespmem:s8+$0x11050] =	vst v5  }
0x17a: {  	v5 =	vld [tilespmem:s3+$0x19060];
	_ =	sdelay $0x4  }
0x17b: {  	[tilespmem:s8+$0x11060] =	vst v5  }
0x17c: {  	v5 =	vld [tilespmem:s3+$0x19070];
	_ =	sdelay $0x2  }
0x17d: {  	s30 =	sadd.s32 s6, s30  }
0x17e: {  	s1 =	sshll.u32 s30, $0x6  }
0x17f: {  	s31 =	simm.s32 $0x0;
	s1 =	sadd.s32 s4, s1;
	[tilespmem:s8+$0x11070] =	vst v5  }
0x180: {  	[hbm4b:s1+s31] =	stream.linear.scatter [tilespmem:s24], [sflag:$0xC], $0x5000, $0x38;
	[tilespmem:$0x1A400] =	vst v63  }
0x181: {  	_ =	swait.ge [sflag:s20], $0x5000  }
0x182: {  	[sflag:s20] =	ssyncset.done $0x0  }
0x183: {  	[sflag:s20] =	ssyncadd.s32 $0xFFFFB000  }
0x184: {  	_ =	swait.ge [sflag:s21], $0x5000  }
0x185: {  	[sflag:s21] =	ssyncset.done $0x0  }
0x186: {  	s29 =	sadd.s32 $0x1, s29;
	[sflag:s21] =	ssyncadd.s32 $0xFFFFB000  }
0x187: {  	p0 =	sne.s32 s29, $0x10;
	_ =	swait.ge [sflag:s22], $0x5000  }
.Ltmp5:
0x188: {  	[sflag:s22] =	ssyncset.done $0x0;
	(pc) =	sbr.rel @p0 .LBB2_4-.Ltmp5, $4  }
0x189: {  	[sflag:s22] =	ssyncadd.s32 $0xFFFFB000  }
0x18a: {  	_ =	swait.ge [sflag:s26], $0x5000  }
0x18b: {  	[sflag:s26] =	ssyncset.done $0x0  }
0x18c: {  	[sflag:s26] =	ssyncadd.s32 $0xFFFFB000  }
0x18d: {  	s3 =	rddreg [dreg:$0x9]  }
0x18e: {  	s1 =	rddreg [dreg:$0x8];
	s3 =	sadd.s32 $0x1, s3  }
0x18f: {  	p0 =	sne.s32 s3, s1  }
.Ltmp6:
0x190: {  	_ = 	snop;
	(pc) =	sbr.rel @p0 .LBB2_1-.Ltmp6, $1  }
0x191: {  	_ =	sdelay $0x3  }
0x192: {  	_ =	sfence.sel $0x180000  }
0x193: {  	[bflag:$0x0] =	sbarrier.arrive $0xFFFF  }
0x194: {  	_ =	strace $0x90000047  }
0x195: {  	s0 =	stileid.u32;
	[bflag:$0x2] =	sbarrier.arrive $0xFFFF  }
0x196: {  	p0 =	sne.s32 s0, $0x0;
	s0 =	rddreg [dreg:$0x5]  }
0x197: {  	s0 =	sadd.s32 @!p0 $0x100000, s0  }
0x198: {  	[sflag:s0] =	ssyncadd.tile.s32 @!p0 $0x1;
	_ =	shalt  }
.Lfunc_end2:
_tile_overlayer_lowered:
.L_overlay_start_2:
0x199: {  	(tag) =	ssettag $0x2  }
0x19a: {  	s0 =	rddreg [dreg:$0x0];
	s2 =	stileid.u32  }
0x19b: {  	s1 =	rddreg [dreg:$0x1];
	p0 =	sne.s32 s2, $0x0  }
0x19c: {  	s3 =	rddreg [dreg:$0x2];
	[bflag:$0x3] =	sbarrier.arrive $0xFFFF;
	s2 =	simm.s32 @!p0 $0x1C0D  }
0x19d: {  	[timem:s3], [sflag:s2] =	dma.local @!p0 [hbm:s0], s1  }
0x19e: {  	s0 =	simm.s32 @!p0 $0xD  }
0x19f: {  	_ =	swait.ge @!p0 [sflag:s0], s1  }
0x1a0: {  	s1 =	ssub.s32 @!p0 $0x0, s1;
	[sflag:s0] =	ssyncset.done @!p0 $0x0  }
0x1a1: {  	[sflag:s0] =	ssyncadd.s32 @!p0 s1  }
0x1a2: {  	[bflag:$0x3] =	sbarrier.arrive $0xFFFF  }
0x1a3: {  	_ =	shalt  }

</sc_bundles>
